<compile_context>
chip_gen: v7x
topology: tpu7x:2x2x1
jax: 0.10.2.dev20260603
libtpu: 0.0.44.dev20260713+nightly
codegen_flags: <defaults>
</compile_context>

<pallas_src>
import functools

import jax
import jax.numpy as jnp
from jax import lax
from jax.experimental import pallas as pl
from jax.experimental.pallas import tpu as pltpu
from jax.experimental.pallas import tpu_sc as plsc

DATASET = 100000
D = 128
BATCH = 4096
HIST = 50
N = BATCH * HIST

NC = 2
NS = 16
NW = NC * NS
B_PER_W = N // NW
CHUNK = 128
NCHUNK = B_PER_W // CHUNK
NBUF = 5
LANES = 16


def _emb_body(idx_hbm, table_hbm, out_hbm, idx_v, rows_v, *sems):
    gsems = sems[:NBUF]
    ssems = sems[NBUF:]
    wid = lax.axis_index("s") * NC + lax.axis_index("c")
    base = wid * B_PER_W

    pltpu.sync_copy(idx_hbm.at[wid], idx_v)

    def gather(g, b):
        return pltpu.async_copy(table_hbm.at[idx_v.at[g]], rows_v.at[b],
                                gsems[b])

    for b in range(NBUF):
        gather(b, b)

    def outer(i, carry):
        for b in range(NBUF):
            g = i * NBUF + b
            buf = rows_v.at[b]
            pltpu.make_async_copy(table_hbm.at[idx_v.at[g]], buf,
                                  gsems[b]).wait()

            def relu_row(r, c):
                for j in range(D // LANES):
                    sl = pl.ds(j * LANES, LANES)
                    buf[r, sl] = jnp.maximum(buf[r, sl], 0.0)
                return c

            lax.fori_loop(0, CHUNK, relu_row, 0)

            pltpu.async_copy(buf, out_hbm.at[pl.ds(base + g * CHUNK, CHUNK)],
                             ssems[b])

            @pl.when(g + NBUF < NCHUNK)
            def _():
                pltpu.make_async_copy(
                    buf, out_hbm.at[pl.ds(base + g * CHUNK, CHUNK)],
                    ssems[b]).wait()
                gather(g + NBUF, b)

        return carry

    lax.fori_loop(0, NCHUNK // NBUF, outer, 0)

    for b in range(NBUF):
        g = NCHUNK - NBUF + b
        pltpu.make_async_copy(rows_v.at[b],
                              out_hbm.at[pl.ds(base + g * CHUNK, CHUNK)],
                              ssems[b]).wait()


def _emb_call(idx3, weight):
    mesh = plsc.VectorSubcoreMesh(core_axis_name="c", subcore_axis_name="s")
    fn = functools.partial(
        pl.kernel,
        mesh=mesh,
        out_type=jax.ShapeDtypeStruct((N, D), jnp.float32),
        scratch_types=[
            pltpu.VMEM((NCHUNK, CHUNK), jnp.int32),
            pltpu.VMEM((NBUF, CHUNK, D), jnp.float32),
        ] + [pltpu.SemaphoreType.DMA] * (2 * NBUF),
    )(_emb_body)
    return fn(idx3, weight)


def kernel(indices, weight):
    idx3 = indices.reshape(NW, NCHUNK, CHUNK)
    out = _emb_call(idx3, weight)
    return out.reshape(BATCH, HIST, D)

# --- scband reference (transcript-rebuilt; emitter-appended) ---
"""Pipeline reference for scband-tabular-state-29119878267448 (READ-ONLY COPY).

The authoritative reference and input builder live on the scoring server;
editing this copy changes nothing except your own understanding.
"""

import jax, jax.numpy as jnp
import numpy as np

DATASET_SIZE = 100000
STATE_SIZE = 128
BATCH = 4096
HIST = 50


def setup_inputs(seed: int = 0) -> dict:
    key = jax.random.key(seed)
    k_idx, k_w = jax.random.split(key)
    indices = jax.random.randint(k_idx, (BATCH, HIST), 0, DATASET_SIZE, dtype=jnp.int32)
    weight = jax.random.normal(k_w, (DATASET_SIZE, STATE_SIZE), dtype=jnp.float32)
    return {"indices": indices, "weight": weight}


def reference(indices, weight):
    # nn.Embedding lookup followed by ReLU (the nn.Sequential in TabularState)
    emb = jnp.take(weight, indices, axis=0)
    return jax.nn.relu(emb)

if __name__ == "__main__":
    import jax
    _d = setup_inputs()
    print(jax.jit(kernel)(*tuple(_d.values())))

</pallas_src>

<mosaic_0001>
#map = affine_map<(d0, d1) -> (0, 0, 0)>
#map1 = affine_map<(d0, d1) -> (0, 0)>
module attributes {stable_mosaic.version = 14 : i64} {
  func.func @_emb_body(%arg0: i32, %arg1: i32, %arg2: memref<32x50x128xi32, #tpu.memory_space<hbm>>, %arg3: memref<100000x128xf32, #tpu.memory_space<hbm>>, %arg4: memref<204800x128xf32, #tpu.memory_space<hbm>>, %arg5: memref<50x128xi32, #tpu.memory_space<vmem>>, %arg6: memref<5x128x128xf32, #tpu.memory_space<vmem>>, %arg7: memref<!tpu.dma_semaphore, #tpu.memory_space<semaphore_mem>>, %arg8: memref<!tpu.dma_semaphore, #tpu.memory_space<semaphore_mem>>, %arg9: memref<!tpu.dma_semaphore, #tpu.memory_space<semaphore_mem>>, %arg10: memref<!tpu.dma_semaphore, #tpu.memory_space<semaphore_mem>>, %arg11: memref<!tpu.dma_semaphore, #tpu.memory_space<semaphore_mem>>, %arg12: memref<!tpu.dma_semaphore, #tpu.memory_space<semaphore_mem>>, %arg13: memref<!tpu.dma_semaphore, #tpu.memory_space<semaphore_mem>>, %arg14: memref<!tpu.dma_semaphore, #tpu.memory_space<semaphore_mem>>, %arg15: memref<!tpu.dma_semaphore, #tpu.memory_space<semaphore_mem>>, %arg16: memref<!tpu.dma_semaphore, #tpu.memory_space<semaphore_mem>>) attributes {dimension_semantics = [#tpu.dimension_semantics<core_parallel>, #tpu.dimension_semantics<subcore_parallel>], iteration_bounds = array<i64: 2, 16>, scalar_prefetch = 0 : i64, scratch_operands = 12 : i64, tpu.core_type = #tpu.core_type<sc_vector_subcore>, window_params = [{transform_indices = #map}, {transform_indices = #map1}, {transform_indices = #map1}]} {
    %mul3A = arith.constant 2 : i32
    %mul3A_0 = arith.muli %arg1, %mul3A : i32
    %add3A = arith.addi %mul3A_0, %arg0 : i32
    %mul3A_1 = arith.constant 6400 : i32
    %mul3A_2 = arith.muli %add3A, %mul3A_1 : i32
    "tpu.region"() ({
      %run_scoped3A = tpu.sem_alloc : memref<!tpu.dma_semaphore, #tpu.memory_space<semaphore_mem>>
      %dma_start3A_141 = arith.constant 0 : i32
      %dma_start3A_142 = arith.constant 0 : i32
      %dma_start3A_143 = tpu.memref_slice %arg2[%add3A, %dma_start3A_141, %dma_start3A_142] : memref<32x50x128xi32, #tpu.memory_space<hbm>> -> memref<1x50x128xi32, #tpu.memory_space<hbm>>
      %dma_start3A_144 = tpu.memref_squeeze %dma_start3A_143 : memref<1x50x128xi32, #tpu.memory_space<hbm>> -> memref<50x128xi32, #tpu.memory_space<hbm>>
      %dma_start3A_145 = arith.constant 0 : i32
      %dma_start3A_146 = arith.constant 0 : i32
      %dma_start3A_147 = tpu.memref_slice %arg2[%add3A, %dma_start3A_145, %dma_start3A_146] : memref<32x50x128xi32, #tpu.memory_space<hbm>> -> memref<1x50x128xi32, #tpu.memory_space<hbm>>
      %dma_start3A_148 = tpu.memref_squeeze %dma_start3A_147 : memref<1x50x128xi32, #tpu.memory_space<hbm>> -> memref<50x128xi32, #tpu.memory_space<hbm>>
      tpu.enqueue_dma source(%dma_start3A_148 : memref<50x128xi32, #tpu.memory_space<hbm>>) target(%arg5 : memref<50x128xi32, #tpu.memory_space<vmem>>) target_semaphore(%run_scoped3A : memref<!tpu.dma_semaphore, #tpu.memory_space<semaphore_mem>>)
      %dma_wait3A_149 = arith.constant 0 : i32
      %dma_wait3A_150 = arith.constant 0 : i32
      %dma_wait3A_151 = tpu.memref_slice %arg2[%add3A, %dma_wait3A_149, %dma_wait3A_150] : memref<32x50x128xi32, #tpu.memory_space<hbm>> -> memref<1x50x128xi32, #tpu.memory_space<hbm>>
      %dma_wait3A_152 = tpu.memref_squeeze %dma_wait3A_151 : memref<1x50x128xi32, #tpu.memory_space<hbm>> -> memref<50x128xi32, #tpu.memory_space<hbm>>
      %dma_wait3A_153 = arith.constant 0 : i32
      %dma_wait3A_154 = arith.constant 0 : i32
      %dma_wait3A_155 = tpu.memref_slice %arg2[%add3A, %dma_wait3A_153, %dma_wait3A_154] : memref<32x50x128xi32, #tpu.memory_space<hbm>> -> memref<1x50x128xi32, #tpu.memory_space<hbm>>
      %dma_wait3A_156 = tpu.memref_squeeze %dma_wait3A_155 : memref<1x50x128xi32, #tpu.memory_space<hbm>> -> memref<50x128xi32, #tpu.memory_space<hbm>>
      tpu.wait_dma2 semaphore(%run_scoped3A : memref<!tpu.dma_semaphore, #tpu.memory_space<semaphore_mem>>) src(%dma_wait3A_156 : memref<50x128xi32, #tpu.memory_space<hbm>>) dst(%arg5 : memref<50x128xi32, #tpu.memory_space<vmem>>)
      tpu.yield
    }) : () -> ()
    %dma_start3A = arith.constant 0 : i32
    %dma_start3A_3 = arith.constant 0 : i32
    %dma_start3A_4 = arith.constant 0 : i32
    %dma_start3A_5 = arith.constant 0 : i32
    %dma_start3A_6 = tpu.memref_slice %arg6[%dma_start3A_3, %dma_start3A_4, %dma_start3A_5] : memref<5x128x128xf32, #tpu.memory_space<vmem>> -> memref<1x128x128xf32, #tpu.memory_space<vmem>>
    %dma_start3A_7 = tpu.memref_squeeze %dma_start3A_6 : memref<1x128x128xf32, #tpu.memory_space<vmem>> -> memref<128x128xf32, #tpu.memory_space<vmem>>
    %dma_start3A_8 = arith.constant 0 : i32
    %dma_start3A_9 = tpu.memref_slice %arg5[%dma_start3A, %dma_start3A_8] : memref<50x128xi32, #tpu.memory_space<vmem>> -> memref<1x128xi32, #tpu.memory_space<vmem>>
    %dma_start3A_10 = tpu.memref_squeeze %dma_start3A_9 : memref<1x128xi32, #tpu.memory_space<vmem>> -> memref<128xi32, #tpu.memory_space<vmem>>
    %dma_start3A_11 = arith.constant 0 : i32
    %dma_start3A_12 = arith.constant 0 : i32
    %dma_start3A_13 = tpu.memref_slice %arg3[%dma_start3A_11, %dma_start3A_12] : memref<100000x128xf32, #tpu.memory_space<hbm>> -> memref<100000x128xf32, #tpu.memory_space<hbm>>
    tpu.enqueue_indirect_dma source(%dma_start3A_13 : memref<100000x128xf32, #tpu.memory_space<hbm>>) target(%dma_start3A_7 : memref<128x128xf32, #tpu.memory_space<vmem>>) offsets(%dma_start3A_10 : memref<128xi32, #tpu.memory_space<vmem>>) semaphore(%arg7 : memref<!tpu.dma_semaphore, #tpu.memory_space<semaphore_mem>>)
    %dma_start3A_14 = arith.constant 1 : i32
    %dma_start3A_15 = arith.constant 1 : i32
    %dma_start3A_16 = arith.constant 0 : i32
    %dma_start3A_17 = arith.constant 0 : i32
    %dma_start3A_18 = tpu.memref_slice %arg6[%dma_start3A_15, %dma_start3A_16, %dma_start3A_17] : memref<5x128x128xf32, #tpu.memory_space<vmem>> -> memref<1x128x128xf32, #tpu.memory_space<vmem>>
    %dma_start3A_19 = tpu.memref_squeeze %dma_start3A_18 : memref<1x128x128xf32, #tpu.memory_space<vmem>> -> memref<128x128xf32, #tpu.memory_space<vmem>>
    %dma_start3A_20 = arith.constant 0 : i32
    %dma_start3A_21 = tpu.memref_slice %arg5[%dma_start3A_14, %dma_start3A_20] : memref<50x128xi32, #tpu.memory_space<vmem>> -> memref<1x128xi32, #tpu.memory_space<vmem>>
    %dma_start3A_22 = tpu.memref_squeeze %dma_start3A_21 : memref<1x128xi32, #tpu.memory_space<vmem>> -> memref<128xi32, #tpu.memory_space<vmem>>
    %dma_start3A_23 = arith.constant 0 : i32
    %dma_start3A_24 = arith.constant 0 : i32
    %dma_start3A_25 = tpu.memref_slice %arg3[%dma_start3A_23, %dma_start3A_24] : memref<100000x128xf32, #tpu.memory_space<hbm>> -> memref<100000x128xf32, #tpu.memory_space<hbm>>
    tpu.enqueue_indirect_dma source(%dma_start3A_25 : memref<100000x128xf32, #tpu.memory_space<hbm>>) target(%dma_start3A_19 : memref<128x128xf32, #tpu.memory_space<vmem>>) offsets(%dma_start3A_22 : memref<128xi32, #tpu.memory_space<vmem>>) semaphore(%arg8 : memref<!tpu.dma_semaphore, #tpu.memory_space<semaphore_mem>>)
    %dma_start3A_26 = arith.constant 2 : i32
    %dma_start3A_27 = arith.constant 2 : i32
    %dma_start3A_28 = arith.constant 0 : i32
    %dma_start3A_29 = arith.constant 0 : i32
    %dma_start3A_30 = tpu.memref_slice %arg6[%dma_start3A_27, %dma_start3A_28, %dma_start3A_29] : memref<5x128x128xf32, #tpu.memory_space<vmem>> -> memref<1x128x128xf32, #tpu.memory_space<vmem>>
    %dma_start3A_31 = tpu.memref_squeeze %dma_start3A_30 : memref<1x128x128xf32, #tpu.memory_space<vmem>> -> memref<128x128xf32, #tpu.memory_space<vmem>>
    %dma_start3A_32 = arith.constant 0 : i32
    %dma_start3A_33 = tpu.memref_slice %arg5[%dma_start3A_26, %dma_start3A_32] : memref<50x128xi32, #tpu.memory_space<vmem>> -> memref<1x128xi32, #tpu.memory_space<vmem>>
    %dma_start3A_34 = tpu.memref_squeeze %dma_start3A_33 : memref<1x128xi32, #tpu.memory_space<vmem>> -> memref<128xi32, #tpu.memory_space<vmem>>
    %dma_start3A_35 = arith.constant 0 : i32
    %dma_start3A_36 = arith.constant 0 : i32
    %dma_start3A_37 = tpu.memref_slice %arg3[%dma_start3A_35, %dma_start3A_36] : memref<100000x128xf32, #tpu.memory_space<hbm>> -> memref<100000x128xf32, #tpu.memory_space<hbm>>
    tpu.enqueue_indirect_dma source(%dma_start3A_37 : memref<100000x128xf32, #tpu.memory_space<hbm>>) target(%dma_start3A_31 : memref<128x128xf32, #tpu.memory_space<vmem>>) offsets(%dma_start3A_34 : memref<128xi32, #tpu.memory_space<vmem>>) semaphore(%arg9 : memref<!tpu.dma_semaphore, #tpu.memory_space<semaphore_mem>>)
    %dma_start3A_38 = arith.constant 3 : i32
    %dma_start3A_39 = arith.constant 3 : i32
    %dma_start3A_40 = arith.constant 0 : i32
    %dma_start3A_41 = arith.constant 0 : i32
    %dma_start3A_42 = tpu.memref_slice %arg6[%dma_start3A_39, %dma_start3A_40, %dma_start3A_41] : memref<5x128x128xf32, #tpu.memory_space<vmem>> -> memref<1x128x128xf32, #tpu.memory_space<vmem>>
    %dma_start3A_43 = tpu.memref_squeeze %dma_start3A_42 : memref<1x128x128xf32, #tpu.memory_space<vmem>> -> memref<128x128xf32, #tpu.memory_space<vmem>>
    %dma_start3A_44 = arith.constant 0 : i32
    %dma_start3A_45 = tpu.memref_slice %arg5[%dma_start3A_38, %dma_start3A_44] : memref<50x128xi32, #tpu.memory_space<vmem>> -> memref<1x128xi32, #tpu.memory_space<vmem>>
    %dma_start3A_46 = tpu.memref_squeeze %dma_start3A_45 : memref<1x128xi32, #tpu.memory_space<vmem>> -> memref<128xi32, #tpu.memory_space<vmem>>
    %dma_start3A_47 = arith.constant 0 : i32
    %dma_start3A_48 = arith.constant 0 : i32
    %dma_start3A_49 = tpu.memref_slice %arg3[%dma_start3A_47, %dma_start3A_48] : memref<100000x128xf32, #tpu.memory_space<hbm>> -> memref<100000x128xf32, #tpu.memory_space<hbm>>
    tpu.enqueue_indirect_dma source(%dma_start3A_49 : memref<100000x128xf32, #tpu.memory_space<hbm>>) target(%dma_start3A_43 : memref<128x128xf32, #tpu.memory_space<vmem>>) offsets(%dma_start3A_46 : memref<128xi32, #tpu.memory_space<vmem>>) semaphore(%arg10 : memref<!tpu.dma_semaphore, #tpu.memory_space<semaphore_mem>>)
    %dma_start3A_50 = arith.constant 4 : i32
    %dma_start3A_51 = arith.constant 4 : i32
    %dma_start3A_52 = arith.constant 0 : i32
    %dma_start3A_53 = arith.constant 0 : i32
    %dma_start3A_54 = tpu.memref_slice %arg6[%dma_start3A_51, %dma_start3A_52, %dma_start3A_53] : memref<5x128x128xf32, #tpu.memory_space<vmem>> -> memref<1x128x128xf32, #tpu.memory_space<vmem>>
    %dma_start3A_55 = tpu.memref_squeeze %dma_start3A_54 : memref<1x128x128xf32, #tpu.memory_space<vmem>> -> memref<128x128xf32, #tpu.memory_space<vmem>>
    %dma_start3A_56 = arith.constant 0 : i32
    %dma_start3A_57 = tpu.memref_slice %arg5[%dma_start3A_50, %dma_start3A_56] : memref<50x128xi32, #tpu.memory_space<vmem>> -> memref<1x128xi32, #tpu.memory_space<vmem>>
    %dma_start3A_58 = tpu.memref_squeeze %dma_start3A_57 : memref<1x128xi32, #tpu.memory_space<vmem>> -> memref<128xi32, #tpu.memory_space<vmem>>
    %dma_start3A_59 = arith.constant 0 : i32
    %dma_start3A_60 = arith.constant 0 : i32
    %dma_start3A_61 = tpu.memref_slice %arg3[%dma_start3A_59, %dma_start3A_60] : memref<100000x128xf32, #tpu.memory_space<hbm>> -> memref<100000x128xf32, #tpu.memory_space<hbm>>
    tpu.enqueue_indirect_dma source(%dma_start3A_61 : memref<100000x128xf32, #tpu.memory_space<hbm>>) target(%dma_start3A_55 : memref<128x128xf32, #tpu.memory_space<vmem>>) offsets(%dma_start3A_58 : memref<128xi32, #tpu.memory_space<vmem>>) semaphore(%arg11 : memref<!tpu.dma_semaphore, #tpu.memory_space<semaphore_mem>>)
    %scan3A = arith.constant 0 : i32
    %scan3A_62 = arith.constant 0 : i32
    %scan3A_63 = arith.constant 10 : i32
    %scan3A_64 = arith.addi %scan3A_62, %scan3A_63 : i32
    %scan3A_65 = arith.constant 1 : i32
    scf.for %scan3A_141 = %scan3A_62 to %scan3A_64 step %scan3A_65  : i32 {
      %mul3A_142 = arith.constant 5 : i32
      %mul3A_143 = arith.muli %scan3A_141, %mul3A_142 : i32
      %add3A_144 = arith.constant 0 : i32
      %add3A_145 = arith.addi %mul3A_143, %add3A_144 : i32
      %dma_wait3A_146 = arith.constant 0 : i32
      %dma_wait3A_147 = arith.constant 0 : i32
      %dma_wait3A_148 = arith.constant 0 : i32
      %dma_wait3A_149 = tpu.memref_slice %arg6[%dma_wait3A_146, %dma_wait3A_147, %dma_wait3A_148] : memref<5x128x128xf32, #tpu.memory_space<vmem>> -> memref<1x128x128xf32, #tpu.memory_space<vmem>>
      %dma_wait3A_150 = tpu.memref_squeeze %dma_wait3A_149 : memref<1x128x128xf32, #tpu.memory_space<vmem>> -> memref<128x128xf32, #tpu.memory_space<vmem>>
      %dma_wait3A_151 = arith.constant 0 : i32
      %dma_wait3A_152 = tpu.memref_slice %arg5[%add3A_145, %dma_wait3A_151] : memref<50x128xi32, #tpu.memory_space<vmem>> -> memref<1x128xi32, #tpu.memory_space<vmem>>
      %dma_wait3A_153 = tpu.memref_squeeze %dma_wait3A_152 : memref<1x128xi32, #tpu.memory_space<vmem>> -> memref<128xi32, #tpu.memory_space<vmem>>
      %dma_wait3A_154 = arith.constant 0 : i32
      %dma_wait3A_155 = arith.constant 0 : i32
      %dma_wait3A_156 = tpu.memref_slice %arg3[%dma_wait3A_154, %dma_wait3A_155] : memref<100000x128xf32, #tpu.memory_space<hbm>> -> memref<100000x128xf32, #tpu.memory_space<hbm>>
      tpu.wait_indirect_dma semaphore(%arg7 : memref<!tpu.dma_semaphore, #tpu.memory_space<semaphore_mem>>) src(%dma_wait3A_156 : memref<100000x128xf32, #tpu.memory_space<hbm>>) dst(%dma_wait3A_150 : memref<128x128xf32, #tpu.memory_space<vmem>>)
      %scan3A_157 = arith.constant 0 : i32
      %scan3A_158 = arith.constant 0 : i32
      %scan3A_159 = arith.constant 0 : i32
      %scan3A_160 = arith.constant 128 : i32
      %scan3A_161 = arith.addi %scan3A_159, %scan3A_160 : i32
      %scan3A_162 = arith.constant 1 : i32
      scf.for %scan3A_369 = %scan3A_159 to %scan3A_161 step %scan3A_162  : i32 {
        %get3A = arith.constant 0 : i32
        %get3A_370 = arith.constant 0 : i32
        %get3A_371 = tpu.memref_slice %arg6[%scan3A_158, %get3A, %get3A_370] : memref<5x128x128xf32, #tpu.memory_space<vmem>> -> memref<1x128x128xf32, #tpu.memory_space<vmem>>
        %get3A_372 = tpu.memref_squeeze %get3A_371 : memref<1x128x128xf32, #tpu.memory_space<vmem>> -> memref<128x128xf32, #tpu.memory_space<vmem>>
        %get3A_373 = arith.index_cast %scan3A_369 : i32 to index
        %get3A_374 = arith.constant 0 : index
        %get3A_375 = tpu.vector_load %get3A_372[%get3A_373, %get3A_374] {strides = array<i32>} : memref<128x128xf32, #tpu.memory_space<vmem>>, vector<1x16xf32>,
        %get3A_376 = vector.shape_cast %get3A_375 : vector<1x16xf32> to vector<16xf32>
        %max3A = arith.constant 0.000000e+00 : f32
        %max3A_377 = vector.broadcast %max3A : f32 to vector<16xf32>
        %max3A_378 = arith.maximumf %get3A_376, %max3A_377 : vector<16xf32>
        %swap3A = arith.constant 0 : i32
        %swap3A_379 = arith.constant 0 : i32
        %swap3A_380 = tpu.memref_slice %arg6[%scan3A_158, %swap3A, %swap3A_379] : memref<5x128x128xf32, #tpu.memory_space<vmem>> -> memref<1x128x128xf32, #tpu.memory_space<vmem>>
        %swap3A_381 = tpu.memref_squeeze %swap3A_380 : memref<1x128x128xf32, #tpu.memory_space<vmem>> -> memref<128x128xf32, #tpu.memory_space<vmem>>
        %swap3A_382 = arith.index_cast %scan3A_369 : i32 to index
        %swap3A_383 = arith.constant 0 : index
        %swap3A_384 = tpu.vector_load %swap3A_381[%swap3A_382, %swap3A_383] {strides = array<i32>} : memref<128x128xf32, #tpu.memory_space<vmem>>, vector<1x16xf32>,
        %swap3A_385 = vector.shape_cast %swap3A_384 : vector<1x16xf32> to vector<16xf32>
        %swap3A_386 = vector.shape_cast %max3A_378 : vector<16xf32> to vector<1x16xf32>
        tpu.vector_store %swap3A_381[%swap3A_382, %swap3A_383], %swap3A_386 {strides = array<i32>} : memref<128x128xf32, #tpu.memory_space<vmem>>, vector<1x16xf32>,
        %get3A_387 = arith.constant 0 : i32
        %get3A_388 = arith.constant 0 : i32
        %get3A_389 = tpu.memref_slice %arg6[%scan3A_158, %get3A_387, %get3A_388] : memref<5x128x128xf32, #tpu.memory_space<vmem>> -> memref<1x128x128xf32, #tpu.memory_space<vmem>>
        %get3A_390 = tpu.memref_squeeze %get3A_389 : memref<1x128x128xf32, #tpu.memory_space<vmem>> -> memref<128x128xf32, #tpu.memory_space<vmem>>
        %get3A_391 = arith.index_cast %scan3A_369 : i32 to index
        %get3A_392 = arith.constant 16 : index
        %get3A_393 = tpu.vector_load %get3A_390[%get3A_391, %get3A_392] {strides = array<i32>} : memref<128x128xf32, #tpu.memory_space<vmem>>, vector<1x16xf32>,
        %get3A_394 = vector.shape_cast %get3A_393 : vector<1x16xf32> to vector<16xf32>
        %max3A_395 = arith.constant 0.000000e+00 : f32
        %max3A_396 = vector.broadcast %max3A_395 : f32 to vector<16xf32>
        %max3A_397 = arith.maximumf %get3A_394, %max3A_396 : vector<16xf32>
        %swap3A_398 = arith.constant 0 : i32
        %swap3A_399 = arith.constant 0 : i32
        %swap3A_400 = tpu.memref_slice %arg6[%scan3A_158, %swap3A_398, %swap3A_399] : memref<5x128x128xf32, #tpu.memory_space<vmem>> -> memref<1x128x128xf32, #tpu.memory_space<vmem>>
        %swap3A_401 = tpu.memref_squeeze %swap3A_400 : memref<1x128x128xf32, #tpu.memory_space<vmem>> -> memref<128x128xf32, #tpu.memory_space<vmem>>
        %swap3A_402 = arith.index_cast %scan3A_369 : i32 to index
        %swap3A_403 = arith.constant 16 : index
        %swap3A_404 = tpu.vector_load %swap3A_401[%swap3A_402, %swap3A_403] {strides = array<i32>} : memref<128x128xf32, #tpu.memory_space<vmem>>, vector<1x16xf32>,
        %swap3A_405 = vector.shape_cast %swap3A_404 : vector<1x16xf32> to vector<16xf32>
        %swap3A_406 = vector.shape_cast %max3A_397 : vector<16xf32> to vector<1x16xf32>
        tpu.vector_store %swap3A_401[%swap3A_402, %swap3A_403], %swap3A_406 {strides = array<i32>} : memref<128x128xf32, #tpu.memory_space<vmem>>, vector<1x16xf32>,
        %get3A_407 = arith.constant 0 : i32
        %get3A_408 = arith.constant 0 : i32
        %get3A_409 = tpu.memref_slice %arg6[%scan3A_158, %get3A_407, %get3A_408] : memref<5x128x128xf32, #tpu.memory_space<vmem>> -> memref<1x128x128xf32, #tpu.memory_space<vmem>>
        %get3A_410 = tpu.memref_squeeze %get3A_409 : memref<1x128x128xf32, #tpu.memory_space<vmem>> -> memref<128x128xf32, #tpu.memory_space<vmem>>
        %get3A_411 = arith.index_cast %scan3A_369 : i32 to index
        %get3A_412 = arith.constant 32 : index
        %get3A_413 = tpu.vector_load %get3A_410[%get3A_411, %get3A_412] {strides = array<i32>} : memref<128x128xf32, #tpu.memory_space<vmem>>, vector<1x16xf32>,
        %get3A_414 = vector.shape_cast %get3A_413 : vector<1x16xf32> to vector<16xf32>
        %max3A_415 = arith.constant 0.000000e+00 : f32
        %max3A_416 = vector.broadcast %max3A_415 : f32 to vector<16xf32>
        %max3A_417 = arith.maximumf %get3A_414, %max3A_416 : vector<16xf32>
        %swap3A_418 = arith.constant 0 : i32
        %swap3A_419 = arith.constant 0 : i32
        %swap3A_420 = tpu.memref_slice %arg6[%scan3A_158, %swap3A_418, %swap3A_419] : memref<5x128x128xf32, #tpu.memory_space<vmem>> -> memref<1x128x128xf32, #tpu.memory_space<vmem>>
        %swap3A_421 = tpu.memref_squeeze %swap3A_420 : memref<1x128x128xf32, #tpu.memory_space<vmem>> -> memref<128x128xf32, #tpu.memory_space<vmem>>
        %swap3A_422 = arith.index_cast %scan3A_369 : i32 to index
        %swap3A_423 = arith.constant 32 : index
        %swap3A_424 = tpu.vector_load %swap3A_421[%swap3A_422, %swap3A_423] {strides = array<i32>} : memref<128x128xf32, #tpu.memory_space<vmem>>, vector<1x16xf32>,
        %swap3A_425 = vector.shape_cast %swap3A_424 : vector<1x16xf32> to vector<16xf32>
        %swap3A_426 = vector.shape_cast %max3A_417 : vector<16xf32> to vector<1x16xf32>
        tpu.vector_store %swap3A_421[%swap3A_422, %swap3A_423], %swap3A_426 {strides = array<i32>} : memref<128x128xf32, #tpu.memory_space<vmem>>, vector<1x16xf32>,
        %get3A_427 = arith.constant 0 : i32
        %get3A_428 = arith.constant 0 : i32
        %get3A_429 = tpu.memref_slice %arg6[%scan3A_158, %get3A_427, %get3A_428] : memref<5x128x128xf32, #tpu.memory_space<vmem>> -> memref<1x128x128xf32, #tpu.memory_space<vmem>>
        %get3A_430 = tpu.memref_squeeze %get3A_429 : memref<1x128x128xf32, #tpu.memory_space<vmem>> -> memref<128x128xf32, #tpu.memory_space<vmem>>
        %get3A_431 = arith.index_cast %scan3A_369 : i32 to index
        %get3A_432 = arith.constant 48 : index
        %get3A_433 = tpu.vector_load %get3A_430[%get3A_431, %get3A_432] {strides = array<i32>} : memref<128x128xf32, #tpu.memory_space<vmem>>, vector<1x16xf32>,
        %get3A_434 = vector.shape_cast %get3A_433 : vector<1x16xf32> to vector<16xf32>
        %max3A_435 = arith.constant 0.000000e+00 : f32
        %max3A_436 = vector.broadcast %max3A_435 : f32 to vector<16xf32>
        %max3A_437 = arith.maximumf %get3A_434, %max3A_436 : vector<16xf32>
        %swap3A_438 = arith.constant 0 : i32
        %swap3A_439 = arith.constant 0 : i32
        %swap3A_440 = tpu.memref_slice %arg6[%scan3A_158, %swap3A_438, %swap3A_439] : memref<5x128x128xf32, #tpu.memory_space<vmem>> -> memref<1x128x128xf32, #tpu.memory_space<vmem>>
        %swap3A_441 = tpu.memref_squeeze %swap3A_440 : memref<1x128x128xf32, #tpu.memory_space<vmem>> -> memref<128x128xf32, #tpu.memory_space<vmem>>
        %swap3A_442 = arith.index_cast %scan3A_369 : i32 to index
        %swap3A_443 = arith.constant 48 : index
        %swap3A_444 = tpu.vector_load %swap3A_441[%swap3A_442, %swap3A_443] {strides = array<i32>} : memref<128x128xf32, #tpu.memory_space<vmem>>, vector<1x16xf32>,
        %swap3A_445 = vector.shape_cast %swap3A_444 : vector<1x16xf32> to vector<16xf32>
        %swap3A_446 = vector.shape_cast %max3A_437 : vector<16xf32> to vector<1x16xf32>
        tpu.vector_store %swap3A_441[%swap3A_442, %swap3A_443], %swap3A_446 {strides = array<i32>} : memref<128x128xf32, #tpu.memory_space<vmem>>, vector<1x16xf32>,
        %get3A_447 = arith.constant 0 : i32
        %get3A_448 = arith.constant 0 : i32
        %get3A_449 = tpu.memref_slice %arg6[%scan3A_158, %get3A_447, %get3A_448] : memref<5x128x128xf32, #tpu.memory_space<vmem>> -> memref<1x128x128xf32, #tpu.memory_space<vmem>>
        %get3A_450 = tpu.memref_squeeze %get3A_449 : memref<1x128x128xf32, #tpu.memory_space<vmem>> -> memref<128x128xf32, #tpu.memory_space<vmem>>
        %get3A_451 = arith.index_cast %scan3A_369 : i32 to index
        %get3A_452 = arith.constant 64 : index
        %get3A_453 = tpu.vector_load %get3A_450[%get3A_451, %get3A_452] {strides = array<i32>} : memref<128x128xf32, #tpu.memory_space<vmem>>, vector<1x16xf32>,
        %get3A_454 = vector.shape_cast %get3A_453 : vector<1x16xf32> to vector<16xf32>
        %max3A_455 = arith.constant 0.000000e+00 : f32
        %max3A_456 = vector.broadcast %max3A_455 : f32 to vector<16xf32>
        %max3A_457 = arith.maximumf %get3A_454, %max3A_456 : vector<16xf32>
        %swap3A_458 = arith.constant 0 : i32
        %swap3A_459 = arith.constant 0 : i32
        %swap3A_460 = tpu.memref_slice %arg6[%scan3A_158, %swap3A_458, %swap3A_459] : memref<5x128x128xf32, #tpu.memory_space<vmem>> -> memref<1x128x128xf32, #tpu.memory_space<vmem>>
        %swap3A_461 = tpu.memref_squeeze %swap3A_460 : memref<1x128x128xf32, #tpu.memory_space<vmem>> -> memref<128x128xf32, #tpu.memory_space<vmem>>
        %swap3A_462 = arith.index_cast %scan3A_369 : i32 to index
        %swap3A_463 = arith.constant 64 : index
        %swap3A_464 = tpu.vector_load %swap3A_461[%swap3A_462, %swap3A_463] {strides = array<i32>} : memref<128x128xf32, #tpu.memory_space<vmem>>, vector<1x16xf32>,
        %swap3A_465 = vector.shape_cast %swap3A_464 : vector<1x16xf32> to vector<16xf32>
        %swap3A_466 = vector.shape_cast %max3A_457 : vector<16xf32> to vector<1x16xf32>
        tpu.vector_store %swap3A_461[%swap3A_462, %swap3A_463], %swap3A_466 {strides = array<i32>} : memref<128x128xf32, #tpu.memory_space<vmem>>, vector<1x16xf32>,
        %get3A_467 = arith.constant 0 : i32
        %get3A_468 = arith.constant 0 : i32
        %get3A_469 = tpu.memref_slice %arg6[%scan3A_158, %get3A_467, %get3A_468] : memref<5x128x128xf32, #tpu.memory_space<vmem>> -> memref<1x128x128xf32, #tpu.memory_space<vmem>>
        %get3A_470 = tpu.memref_squeeze %get3A_469 : memref<1x128x128xf32, #tpu.memory_space<vmem>> -> memref<128x128xf32, #tpu.memory_space<vmem>>
        %get3A_471 = arith.index_cast %scan3A_369 : i32 to index
        %get3A_472 = arith.constant 80 : index
        %get3A_473 = tpu.vector_load %get3A_470[%get3A_471, %get3A_472] {strides = array<i32>} : memref<128x128xf32, #tpu.memory_space<vmem>>, vector<1x16xf32>,
        %get3A_474 = vector.shape_cast %get3A_473 : vector<1x16xf32> to vector<16xf32>
        %max3A_475 = arith.constant 0.000000e+00 : f32
        %max3A_476 = vector.broadcast %max3A_475 : f32 to vector<16xf32>
        %max3A_477 = arith.maximumf %get3A_474, %max3A_476 : vector<16xf32>
        %swap3A_478 = arith.constant 0 : i32
        %swap3A_479 = arith.constant 0 : i32
        %swap3A_480 = tpu.memref_slice %arg6[%scan3A_158, %swap3A_478, %swap3A_479] : memref<5x128x128xf32, #tpu.memory_space<vmem>> -> memref<1x128x128xf32, #tpu.memory_space<vmem>>
        %swap3A_481 = tpu.memref_squeeze %swap3A_480 : memref<1x128x128xf32, #tpu.memory_space<vmem>> -> memref<128x128xf32, #tpu.memory_space<vmem>>
        %swap3A_482 = arith.index_cast %scan3A_369 : i32 to index
        %swap3A_483 = arith.constant 80 : index
        %swap3A_484 = tpu.vector_load %swap3A_481[%swap3A_482, %swap3A_483] {strides = array<i32>} : memref<128x128xf32, #tpu.memory_space<vmem>>, vector<1x16xf32>,
        %swap3A_485 = vector.shape_cast %swap3A_484 : vector<1x16xf32> to vector<16xf32>
        %swap3A_486 = vector.shape_cast %max3A_477 : vector<16xf32> to vector<1x16xf32>
        tpu.vector_store %swap3A_481[%swap3A_482, %swap3A_483], %swap3A_486 {strides = array<i32>} : memref<128x128xf32, #tpu.memory_space<vmem>>, vector<1x16xf32>,
        %get3A_487 = arith.constant 0 : i32
        %get3A_488 = arith.constant 0 : i32
        %get3A_489 = tpu.memref_slice %arg6[%scan3A_158, %get3A_487, %get3A_488] : memref<5x128x128xf32, #tpu.memory_space<vmem>> -> memref<1x128x128xf32, #tpu.memory_space<vmem>>
        %get3A_490 = tpu.memref_squeeze %get3A_489 : memref<1x128x128xf32, #tpu.memory_space<vmem>> -> memref<128x128xf32, #tpu.memory_space<vmem>>
        %get3A_491 = arith.index_cast %scan3A_369 : i32 to index
        %get3A_492 = arith.constant 96 : index
        %get3A_493 = tpu.vector_load %get3A_490[%get3A_491, %get3A_492] {strides = array<i32>} : memref<128x128xf32, #tpu.memory_space<vmem>>, vector<1x16xf32>,
        %get3A_494 = vector.shape_cast %get3A_493 : vector<1x16xf32> to vector<16xf32>
        %max3A_495 = arith.constant 0.000000e+00 : f32
        %max3A_496 = vector.broadcast %max3A_495 : f32 to vector<16xf32>
        %max3A_497 = arith.maximumf %get3A_494, %max3A_496 : vector<16xf32>
        %swap3A_498 = arith.constant 0 : i32
        %swap3A_499 = arith.constant 0 : i32
        %swap3A_500 = tpu.memref_slice %arg6[%scan3A_158, %swap3A_498, %swap3A_499] : memref<5x128x128xf32, #tpu.memory_space<vmem>> -> memref<1x128x128xf32, #tpu.memory_space<vmem>>
        %swap3A_501 = tpu.memref_squeeze %swap3A_500 : memref<1x128x128xf32, #tpu.memory_space<vmem>> -> memref<128x128xf32, #tpu.memory_space<vmem>>
        %swap3A_502 = arith.index_cast %scan3A_369 : i32 to index
        %swap3A_503 = arith.constant 96 : index
        %swap3A_504 = tpu.vector_load %swap3A_501[%swap3A_502, %swap3A_503] {strides = array<i32>} : memref<128x128xf32, #tpu.memory_space<vmem>>, vector<1x16xf32>,
        %swap3A_505 = vector.shape_cast %swap3A_504 : vector<1x16xf32> to vector<16xf32>
        %swap3A_506 = vector.shape_cast %max3A_497 : vector<16xf32> to vector<1x16xf32>
        tpu.vector_store %swap3A_501[%swap3A_502, %swap3A_503], %swap3A_506 {strides = array<i32>} : memref<128x128xf32, #tpu.memory_space<vmem>>, vector<1x16xf32>,
        %get3A_507 = arith.constant 0 : i32
        %get3A_508 = arith.constant 0 : i32
        %get3A_509 = tpu.memref_slice %arg6[%scan3A_158, %get3A_507, %get3A_508] : memref<5x128x128xf32, #tpu.memory_space<vmem>> -> memref<1x128x128xf32, #tpu.memory_space<vmem>>
        %get3A_510 = tpu.memref_squeeze %get3A_509 : memref<1x128x128xf32, #tpu.memory_space<vmem>> -> memref<128x128xf32, #tpu.memory_space<vmem>>
        %get3A_511 = arith.index_cast %scan3A_369 : i32 to index
        %get3A_512 = arith.constant 112 : index
        %get3A_513 = tpu.vector_load %get3A_510[%get3A_511, %get3A_512] {strides = array<i32>} : memref<128x128xf32, #tpu.memory_space<vmem>>, vector<1x16xf32>,
        %get3A_514 = vector.shape_cast %get3A_513 : vector<1x16xf32> to vector<16xf32>
        %max3A_515 = arith.constant 0.000000e+00 : f32
        %max3A_516 = vector.broadcast %max3A_515 : f32 to vector<16xf32>
        %max3A_517 = arith.maximumf %get3A_514, %max3A_516 : vector<16xf32>
        %swap3A_518 = arith.constant 0 : i32
        %swap3A_519 = arith.constant 0 : i32
        %swap3A_520 = tpu.memref_slice %arg6[%scan3A_158, %swap3A_518, %swap3A_519] : memref<5x128x128xf32, #tpu.memory_space<vmem>> -> memref<1x128x128xf32, #tpu.memory_space<vmem>>
        %swap3A_521 = tpu.memref_squeeze %swap3A_520 : memref<1x128x128xf32, #tpu.memory_space<vmem>> -> memref<128x128xf32, #tpu.memory_space<vmem>>
        %swap3A_522 = arith.index_cast %scan3A_369 : i32 to index
        %swap3A_523 = arith.constant 112 : index
        %swap3A_524 = tpu.vector_load %swap3A_521[%swap3A_522, %swap3A_523] {strides = array<i32>} : memref<128x128xf32, #tpu.memory_space<vmem>>, vector<1x16xf32>,
        %swap3A_525 = vector.shape_cast %swap3A_524 : vector<1x16xf32> to vector<16xf32>
        %swap3A_526 = vector.shape_cast %max3A_517 : vector<16xf32> to vector<1x16xf32>
        tpu.vector_store %swap3A_521[%swap3A_522, %swap3A_523], %swap3A_526 {strides = array<i32>} : memref<128x128xf32, #tpu.memory_space<vmem>>, vector<1x16xf32>,
      }
      %scan3A_163 = arith.constant 128 : i32
      %mul3A_164 = arith.constant 128 : i32
      %mul3A_165 = arith.muli %add3A_145, %mul3A_164 : i32
      %add3A_166 = arith.addi %mul3A_2, %mul3A_165 : i32
      %dma_start3A_167 = arith.constant 0 : i32
      %dma_start3A_168 = arith.constant 0 : i32
      %dma_start3A_169 = arith.constant 0 : i32
      %dma_start3A_170 = tpu.memref_slice %arg6[%dma_start3A_167, %dma_start3A_168, %dma_start3A_169] : memref<5x128x128xf32, #tpu.memory_space<vmem>> -> memref<1x128x128xf32, #tpu.memory_space<vmem>>
      %dma_start3A_171 = tpu.memref_squeeze %dma_start3A_170 : memref<1x128x128xf32, #tpu.memory_space<vmem>> -> memref<128x128xf32, #tpu.memory_space<vmem>>
      %dma_start3A_172 = arith.constant 0 : i32
      %dma_start3A_173 = tpu.memref_slice %arg4[%add3A_166, %dma_start3A_172] : memref<204800x128xf32, #tpu.memory_space<hbm>> -> memref<128x128xf32, #tpu.memory_space<hbm>>
      %dma_start3A_174 = arith.constant 0 : i32
      %dma_start3A_175 = tpu.memref_slice %arg4[%add3A_166, %dma_start3A_174] : memref<204800x128xf32, #tpu.memory_space<hbm>> -> memref<128x128xf32, #tpu.memory_space<hbm>>
      %dma_start3A_176 = arith.constant 0 : i32
      %dma_start3A_177 = arith.constant 0 : i32
      %dma_start3A_178 = tpu.memref_slice %arg6[%dma_start3A_167, %dma_start3A_176, %dma_start3A_177] : memref<5x128x128xf32, #tpu.memory_space<vmem>> -> memref<1x128x128xf32, #tpu.memory_space<vmem>>
      %dma_start3A_179 = tpu.memref_squeeze %dma_start3A_178 : memref<1x128x128xf32, #tpu.memory_space<vmem>> -> memref<128x128xf32, #tpu.memory_space<vmem>>
      tpu.enqueue_dma source(%dma_start3A_179 : memref<128x128xf32, #tpu.memory_space<vmem>>) target(%dma_start3A_175 : memref<128x128xf32, #tpu.memory_space<hbm>>) target_semaphore(%arg12 : memref<!tpu.dma_semaphore, #tpu.memory_space<semaphore_mem>>)
      %add3A_180 = arith.constant 5 : i32
      %add3A_181 = arith.addi %add3A_145, %add3A_180 : i32
      %lt3A = arith.constant 50 : i32
      %lt3A_182 = arith.cmpi slt, %add3A_181, %lt3A : i32
      %convert_element_type3A = arith.extui %lt3A_182 : i1 to i32
      %cond3A = arith.constant 0 : i32
      %cond3A_183 = arith.constant 0 : i32
      %cond3A_184 = arith.cmpi ne, %convert_element_type3A, %cond3A_183 : i32
      scf.if %cond3A_184 {
        %mul3A_369 = arith.constant 128 : i32
        %mul3A_370 = arith.muli %add3A_145, %mul3A_369 : i32
        %add3A_371 = arith.addi %mul3A_2, %mul3A_370 : i32
        %dma_wait3A_372 = arith.constant 0 : i32
        %dma_wait3A_373 = arith.constant 0 : i32
        %dma_wait3A_374 = tpu.memref_slice %arg6[%cond3A, %dma_wait3A_372, %dma_wait3A_373] : memref<5x128x128xf32, #tpu.memory_space<vmem>> -> memref<1x128x128xf32, #tpu.memory_space<vmem>>
        %dma_wait3A_375 = tpu.memref_squeeze %dma_wait3A_374 : memref<1x128x128xf32, #tpu.memory_space<vmem>> -> memref<128x128xf32, #tpu.memory_space<vmem>>
        %dma_wait3A_376 = arith.constant 0 : i32
        %dma_wait3A_377 = tpu.memref_slice %arg4[%add3A_371, %dma_wait3A_376] : memref<204800x128xf32, #tpu.memory_space<hbm>> -> memref<128x128xf32, #tpu.memory_space<hbm>>
        %dma_wait3A_378 = arith.constant 0 : i32
        %dma_wait3A_379 = tpu.memref_slice %arg4[%add3A_371, %dma_wait3A_378] : memref<204800x128xf32, #tpu.memory_space<hbm>> -> memref<128x128xf32, #tpu.memory_space<hbm>>
        %dma_wait3A_380 = arith.constant 0 : i32
        %dma_wait3A_381 = arith.constant 0 : i32
        %dma_wait3A_382 = tpu.memref_slice %arg6[%cond3A, %dma_wait3A_380, %dma_wait3A_381] : memref<5x128x128xf32, #tpu.memory_space<vmem>> -> memref<1x128x128xf32, #tpu.memory_space<vmem>>
        %dma_wait3A_383 = tpu.memref_squeeze %dma_wait3A_382 : memref<1x128x128xf32, #tpu.memory_space<vmem>> -> memref<128x128xf32, #tpu.memory_space<vmem>>
        tpu.wait_dma2 semaphore(%arg12 : memref<!tpu.dma_semaphore, #tpu.memory_space<semaphore_mem>>) src(%dma_wait3A_383 : memref<128x128xf32, #tpu.memory_space<vmem>>) dst(%dma_wait3A_379 : memref<128x128xf32, #tpu.memory_space<hbm>>)
        %add3A_384 = arith.constant 5 : i32
        %add3A_385 = arith.addi %add3A_145, %add3A_384 : i32
        %dma_start3A_386 = arith.constant 0 : i32
        %dma_start3A_387 = arith.constant 0 : i32
        %dma_start3A_388 = arith.constant 0 : i32
        %dma_start3A_389 = tpu.memref_slice %arg6[%dma_start3A_386, %dma_start3A_387, %dma_start3A_388] : memref<5x128x128xf32, #tpu.memory_space<vmem>> -> memref<1x128x128xf32, #tpu.memory_space<vmem>>
        %dma_start3A_390 = tpu.memref_squeeze %dma_start3A_389 : memref<1x128x128xf32, #tpu.memory_space<vmem>> -> memref<128x128xf32, #tpu.memory_space<vmem>>
        %dma_start3A_391 = arith.constant 0 : i32
        %dma_start3A_392 = tpu.memref_slice %arg5[%add3A_385, %dma_start3A_391] : memref<50x128xi32, #tpu.memory_space<vmem>> -> memref<1x128xi32, #tpu.memory_space<vmem>>
        %dma_start3A_393 = tpu.memref_squeeze %dma_start3A_392 : memref<1x128xi32, #tpu.memory_space<vmem>> -> memref<128xi32, #tpu.memory_space<vmem>>
        %dma_start3A_394 = arith.constant 0 : i32
        %dma_start3A_395 = arith.constant 0 : i32
        %dma_start3A_396 = tpu.memref_slice %arg3[%dma_start3A_394, %dma_start3A_395] : memref<100000x128xf32, #tpu.memory_space<hbm>> -> memref<100000x128xf32, #tpu.memory_space<hbm>>
        tpu.enqueue_indirect_dma source(%dma_start3A_396 : memref<100000x128xf32, #tpu.memory_space<hbm>>) target(%dma_start3A_390 : memref<128x128xf32, #tpu.memory_space<vmem>>) offsets(%dma_start3A_393 : memref<128xi32, #tpu.memory_space<vmem>>) semaphore(%arg7 : memref<!tpu.dma_semaphore, #tpu.memory_space<semaphore_mem>>)
      } else {
      }
      %mul3A_185 = arith.constant 5 : i32
      %mul3A_186 = arith.muli %scan3A_141, %mul3A_185 : i32
      %add3A_187 = arith.constant 1 : i32
      %add3A_188 = arith.addi %mul3A_186, %add3A_187 : i32
      %dma_wait3A_189 = arith.constant 1 : i32
      %dma_wait3A_190 = arith.constant 0 : i32
      %dma_wait3A_191 = arith.constant 0 : i32
      %dma_wait3A_192 = tpu.memref_slice %arg6[%dma_wait3A_189, %dma_wait3A_190, %dma_wait3A_191] : memref<5x128x128xf32, #tpu.memory_space<vmem>> -> memref<1x128x128xf32, #tpu.memory_space<vmem>>
      %dma_wait3A_193 = tpu.memref_squeeze %dma_wait3A_192 : memref<1x128x128xf32, #tpu.memory_space<vmem>> -> memref<128x128xf32, #tpu.memory_space<vmem>>
      %dma_wait3A_194 = arith.constant 0 : i32
      %dma_wait3A_195 = tpu.memref_slice %arg5[%add3A_188, %dma_wait3A_194] : memref<50x128xi32, #tpu.memory_space<vmem>> -> memref<1x128xi32, #tpu.memory_space<vmem>>
      %dma_wait3A_196 = tpu.memref_squeeze %dma_wait3A_195 : memref<1x128xi32, #tpu.memory_space<vmem>> -> memref<128xi32, #tpu.memory_space<vmem>>
      %dma_wait3A_197 = arith.constant 0 : i32
      %dma_wait3A_198 = arith.constant 0 : i32
      %dma_wait3A_199 = tpu.memref_slice %arg3[%dma_wait3A_197, %dma_wait3A_198] : memref<100000x128xf32, #tpu.memory_space<hbm>> -> memref<100000x128xf32, #tpu.memory_space<hbm>>
      tpu.wait_indirect_dma semaphore(%arg8 : memref<!tpu.dma_semaphore, #tpu.memory_space<semaphore_mem>>) src(%dma_wait3A_199 : memref<100000x128xf32, #tpu.memory_space<hbm>>) dst(%dma_wait3A_193 : memref<128x128xf32, #tpu.memory_space<vmem>>)
      %scan3A_200 = arith.constant 0 : i32
      %scan3A_201 = arith.constant 1 : i32
      %scan3A_202 = arith.constant 0 : i32
      %scan3A_203 = arith.constant 128 : i32
      %scan3A_204 = arith.addi %scan3A_202, %scan3A_203 : i32
      %scan3A_205 = arith.constant 1 : i32
      scf.for %scan3A_369 = %scan3A_202 to %scan3A_204 step %scan3A_205  : i32 {
        %get3A = arith.constant 0 : i32
        %get3A_370 = arith.constant 0 : i32
        %get3A_371 = tpu.memref_slice %arg6[%scan3A_201, %get3A, %get3A_370] : memref<5x128x128xf32, #tpu.memory_space<vmem>> -> memref<1x128x128xf32, #tpu.memory_space<vmem>>
        %get3A_372 = tpu.memref_squeeze %get3A_371 : memref<1x128x128xf32, #tpu.memory_space<vmem>> -> memref<128x128xf32, #tpu.memory_space<vmem>>
        %get3A_373 = arith.index_cast %scan3A_369 : i32 to index
        %get3A_374 = arith.constant 0 : index
        %get3A_375 = tpu.vector_load %get3A_372[%get3A_373, %get3A_374] {strides = array<i32>} : memref<128x128xf32, #tpu.memory_space<vmem>>, vector<1x16xf32>,
        %get3A_376 = vector.shape_cast %get3A_375 : vector<1x16xf32> to vector<16xf32>
        %max3A = arith.constant 0.000000e+00 : f32
        %max3A_377 = vector.broadcast %max3A : f32 to vector<16xf32>
        %max3A_378 = arith.maximumf %get3A_376, %max3A_377 : vector<16xf32>
        %swap3A = arith.constant 0 : i32
        %swap3A_379 = arith.constant 0 : i32
        %swap3A_380 = tpu.memref_slice %arg6[%scan3A_201, %swap3A, %swap3A_379] : memref<5x128x128xf32, #tpu.memory_space<vmem>> -> memref<1x128x128xf32, #tpu.memory_space<vmem>>
        %swap3A_381 = tpu.memref_squeeze %swap3A_380 : memref<1x128x128xf32, #tpu.memory_space<vmem>> -> memref<128x128xf32, #tpu.memory_space<vmem>>
        %swap3A_382 = arith.index_cast %scan3A_369 : i32 to index
        %swap3A_383 = arith.constant 0 : index
        %swap3A_384 = tpu.vector_load %swap3A_381[%swap3A_382, %swap3A_383] {strides = array<i32>} : memref<128x128xf32, #tpu.memory_space<vmem>>, vector<1x16xf32>,
        %swap3A_385 = vector.shape_cast %swap3A_384 : vector<1x16xf32> to vector<16xf32>
        %swap3A_386 = vector.shape_cast %max3A_378 : vector<16xf32> to vector<1x16xf32>
        tpu.vector_store %swap3A_381[%swap3A_382, %swap3A_383], %swap3A_386 {strides = array<i32>} : memref<128x128xf32, #tpu.memory_space<vmem>>, vector<1x16xf32>,
        %get3A_387 = arith.constant 0 : i32
        %get3A_388 = arith.constant 0 : i32
        %get3A_389 = tpu.memref_slice %arg6[%scan3A_201, %get3A_387, %get3A_388] : memref<5x128x128xf32, #tpu.memory_space<vmem>> -> memref<1x128x128xf32, #tpu.memory_space<vmem>>
        %get3A_390 = tpu.memref_squeeze %get3A_389 : memref<1x128x128xf32, #tpu.memory_space<vmem>> -> memref<128x128xf32, #tpu.memory_space<vmem>>
        %get3A_391 = arith.index_cast %scan3A_369 : i32 to index
        %get3A_392 = arith.constant 16 : index
        %get3A_393 = tpu.vector_load %get3A_390[%get3A_391, %get3A_392] {strides = array<i32>} : memref<128x128xf32, #tpu.memory_space<vmem>>, vector<1x16xf32>,
        %get3A_394 = vector.shape_cast %get3A_393 : vector<1x16xf32> to vector<16xf32>
        %max3A_395 = arith.constant 0.000000e+00 : f32
        %max3A_396 = vector.broadcast %max3A_395 : f32 to vector<16xf32>
        %max3A_397 = arith.maximumf %get3A_394, %max3A_396 : vector<16xf32>
        %swap3A_398 = arith.constant 0 : i32
        %swap3A_399 = arith.constant 0 : i32
        %swap3A_400 = tpu.memref_slice %arg6[%scan3A_201, %swap3A_398, %swap3A_399] : memref<5x128x128xf32, #tpu.memory_space<vmem>> -> memref<1x128x128xf32, #tpu.memory_space<vmem>>
        %swap3A_401 = tpu.memref_squeeze %swap3A_400 : memref<1x128x128xf32, #tpu.memory_space<vmem>> -> memref<128x128xf32, #tpu.memory_space<vmem>>
        %swap3A_402 = arith.index_cast %scan3A_369 : i32 to index
        %swap3A_403 = arith.constant 16 : index
        %swap3A_404 = tpu.vector_load %swap3A_401[%swap3A_402, %swap3A_403] {strides = array<i32>} : memref<128x128xf32, #tpu.memory_space<vmem>>, vector<1x16xf32>,
        %swap3A_405 = vector.shape_cast %swap3A_404 : vector<1x16xf32> to vector<16xf32>
        %swap3A_406 = vector.shape_cast %max3A_397 : vector<16xf32> to vector<1x16xf32>
        tpu.vector_store %swap3A_401[%swap3A_402, %swap3A_403], %swap3A_406 {strides = array<i32>} : memref<128x128xf32, #tpu.memory_space<vmem>>, vector<1x16xf32>,
        %get3A_407 = arith.constant 0 : i32
        %get3A_408 = arith.constant 0 : i32
        %get3A_409 = tpu.memref_slice %arg6[%scan3A_201, %get3A_407, %get3A_408] : memref<5x128x128xf32, #tpu.memory_space<vmem>> -> memref<1x128x128xf32, #tpu.memory_space<vmem>>
        %get3A_410 = tpu.memref_squeeze %get3A_409 : memref<1x128x128xf32, #tpu.memory_space<vmem>> -> memref<128x128xf32, #tpu.memory_space<vmem>>
        %get3A_411 = arith.index_cast %scan3A_369 : i32 to index
        %get3A_412 = arith.constant 32 : index
        %get3A_413 = tpu.vector_load %get3A_410[%get3A_411, %get3A_412] {strides = array<i32>} : memref<128x128xf32, #tpu.memory_space<vmem>>, vector<1x16xf32>,
        %get3A_414 = vector.shape_cast %get3A_413 : vector<1x16xf32> to vector<16xf32>
        %max3A_415 = arith.constant 0.000000e+00 : f32
        %max3A_416 = vector.broadcast %max3A_415 : f32 to vector<16xf32>
        %max3A_417 = arith.maximumf %get3A_414, %max3A_416 : vector<16xf32>
        %swap3A_418 = arith.constant 0 : i32
        %swap3A_419 = arith.constant 0 : i32
        %swap3A_420 = tpu.memref_slice %arg6[%scan3A_201, %swap3A_418, %swap3A_419] : memref<5x128x128xf32, #tpu.memory_space<vmem>> -> memref<1x128x128xf32, #tpu.memory_space<vmem>>
        %swap3A_421 = tpu.memref_squeeze %swap3A_420 : memref<1x128x128xf32, #tpu.memory_space<vmem>> -> memref<128x128xf32, #tpu.memory_space<vmem>>
        %swap3A_422 = arith.index_cast %scan3A_369 : i32 to index
        %swap3A_423 = arith.constant 32 : index
        %swap3A_424 = tpu.vector_load %swap3A_421[%swap3A_422, %swap3A_423] {strides = array<i32>} : memref<128x128xf32, #tpu.memory_space<vmem>>, vector<1x16xf32>,
        %swap3A_425 = vector.shape_cast %swap3A_424 : vector<1x16xf32> to vector<16xf32>
        %swap3A_426 = vector.shape_cast %max3A_417 : vector<16xf32> to vector<1x16xf32>
        tpu.vector_store %swap3A_421[%swap3A_422, %swap3A_423], %swap3A_426 {strides = array<i32>} : memref<128x128xf32, #tpu.memory_space<vmem>>, vector<1x16xf32>,
        %get3A_427 = arith.constant 0 : i32
        %get3A_428 = arith.constant 0 : i32
        %get3A_429 = tpu.memref_slice %arg6[%scan3A_201, %get3A_427, %get3A_428] : memref<5x128x128xf32, #tpu.memory_space<vmem>> -> memref<1x128x128xf32, #tpu.memory_space<vmem>>
        %get3A_430 = tpu.memref_squeeze %get3A_429 : memref<1x128x128xf32, #tpu.memory_space<vmem>> -> memref<128x128xf32, #tpu.memory_space<vmem>>
        %get3A_431 = arith.index_cast %scan3A_369 : i32 to index
        %get3A_432 = arith.constant 48 : index
        %get3A_433 = tpu.vector_load %get3A_430[%get3A_431, %get3A_432] {strides = array<i32>} : memref<128x128xf32, #tpu.memory_space<vmem>>, vector<1x16xf32>,
        %get3A_434 = vector.shape_cast %get3A_433 : vector<1x16xf32> to vector<16xf32>
        %max3A_435 = arith.constant 0.000000e+00 : f32
        %max3A_436 = vector.broadcast %max3A_435 : f32 to vector<16xf32>
        %max3A_437 = arith.maximumf %get3A_434, %max3A_436 : vector<16xf32>
        %swap3A_438 = arith.constant 0 : i32
        %swap3A_439 = arith.constant 0 : i32
        %swap3A_440 = tpu.memref_slice %arg6[%scan3A_201, %swap3A_438, %swap3A_439] : memref<5x128x128xf32, #tpu.memory_space<vmem>> -> memref<1x128x128xf32, #tpu.memory_space<vmem>>
        %swap3A_441 = tpu.memref_squeeze %swap3A_440 : memref<1x128x128xf32, #tpu.memory_space<vmem>> -> memref<128x128xf32, #tpu.memory_space<vmem>>
        %swap3A_442 = arith.index_cast %scan3A_369 : i32 to index
        %swap3A_443 = arith.constant 48 : index
        %swap3A_444 = tpu.vector_load %swap3A_441[%swap3A_442, %swap3A_443] {strides = array<i32>} : memref<128x128xf32, #tpu.memory_space<vmem>>, vector<1x16xf32>,
        %swap3A_445 = vector.shape_cast %swap3A_444 : vector<1x16xf32> to vector<16xf32>
        %swap3A_446 = vector.shape_cast %max3A_437 : vector<16xf32> to vector<1x16xf32>
        tpu.vector_store %swap3A_441[%swap3A_442, %swap3A_443], %swap3A_446 {strides = array<i32>} : memref<128x128xf32, #tpu.memory_space<vmem>>, vector<1x16xf32>,
        %get3A_447 = arith.constant 0 : i32
        %get3A_448 = arith.constant 0 : i32
        %get3A_449 = tpu.memref_slice %arg6[%scan3A_201, %get3A_447, %get3A_448] : memref<5x128x128xf32, #tpu.memory_space<vmem>> -> memref<1x128x128xf32, #tpu.memory_space<vmem>>
        %get3A_450 = tpu.memref_squeeze %get3A_449 : memref<1x128x128xf32, #tpu.memory_space<vmem>> -> memref<128x128xf32, #tpu.memory_space<vmem>>
        %get3A_451 = arith.index_cast %scan3A_369 : i32 to index
        %get3A_452 = arith.constant 64 : index
        %get3A_453 = tpu.vector_load %get3A_450[%get3A_451, %get3A_452] {strides = array<i32>} : memref<128x128xf32, #tpu.memory_space<vmem>>, vector<1x16xf32>,
        %get3A_454 = vector.shape_cast %get3A_453 : vector<1x16xf32> to vector<16xf32>
        %max3A_455 = arith.constant 0.000000e+00 : f32
        %max3A_456 = vector.broadcast %max3A_455 : f32 to vector<16xf32>
        %max3A_457 = arith.maximumf %get3A_454, %max3A_456 : vector<16xf32>
        %swap3A_458 = arith.constant 0 : i32
        %swap3A_459 = arith.constant 0 : i32
        %swap3A_460 = tpu.memref_slice %arg6[%scan3A_201, %swap3A_458, %swap3A_459] : memref<5x128x128xf32, #tpu.memory_space<vmem>> -> memref<1x128x128xf32, #tpu.memory_space<vmem>>
        %swap3A_461 = tpu.memref_squeeze %swap3A_460 : memref<1x128x128xf32, #tpu.memory_space<vmem>> -> memref<128x128xf32, #tpu.memory_space<vmem>>
        %swap3A_462 = arith.index_cast %scan3A_369 : i32 to index
        %swap3A_463 = arith.constant 64 : index
        %swap3A_464 = tpu.vector_load %swap3A_461[%swap3A_462, %swap3A_463] {strides = array<i32>} : memref<128x128xf32, #tpu.memory_space<vmem>>, vector<1x16xf32>,
        %swap3A_465 = vector.shape_cast %swap3A_464 : vector<1x16xf32> to vector<16xf32>
        %swap3A_466 = vector.shape_cast %max3A_457 : vector<16xf32> to vector<1x16xf32>
        tpu.vector_store %swap3A_461[%swap3A_462, %swap3A_463], %swap3A_466 {strides = array<i32>} : memref<128x128xf32, #tpu.memory_space<vmem>>, vector<1x16xf32>,
        %get3A_467 = arith.constant 0 : i32
        %get3A_468 = arith.constant 0 : i32
        %get3A_469 = tpu.memref_slice %arg6[%scan3A_201, %get3A_467, %get3A_468] : memref<5x128x128xf32, #tpu.memory_space<vmem>> -> memref<1x128x128xf32, #tpu.memory_space<vmem>>
        %get3A_470 = tpu.memref_squeeze %get3A_469 : memref<1x128x128xf32, #tpu.memory_space<vmem>> -> memref<128x128xf32, #tpu.memory_space<vmem>>
        %get3A_471 = arith.index_cast %scan3A_369 : i32 to index
        %get3A_472 = arith.constant 80 : index
        %get3A_473 = tpu.vector_load %get3A_470[%get3A_471, %get3A_472] {strides = array<i32>} : memref<128x128xf32, #tpu.memory_space<vmem>>, vector<1x16xf32>,
        %get3A_474 = vector.shape_cast %get3A_473 : vector<1x16xf32> to vector<16xf32>
        %max3A_475 = arith.constant 0.000000e+00 : f32
        %max3A_476 = vector.broadcast %max3A_475 : f32 to vector<16xf32>
        %max3A_477 = arith.maximumf %get3A_474, %max3A_476 : vector<16xf32>
        %swap3A_478 = arith.constant 0 : i32
        %swap3A_479 = arith.constant 0 : i32
        %swap3A_480 = tpu.memref_slice %arg6[%scan3A_201, %swap3A_478, %swap3A_479] : memref<5x128x128xf32, #tpu.memory_space<vmem>> -> memref<1x128x128xf32, #tpu.memory_space<vmem>>
        %swap3A_481 = tpu.memref_squeeze %swap3A_480 : memref<1x128x128xf32, #tpu.memory_space<vmem>> -> memref<128x128xf32, #tpu.memory_space<vmem>>
        %swap3A_482 = arith.index_cast %scan3A_369 : i32 to index
        %swap3A_483 = arith.constant 80 : index
        %swap3A_484 = tpu.vector_load %swap3A_481[%swap3A_482, %swap3A_483] {strides = array<i32>} : memref<128x128xf32, #tpu.memory_space<vmem>>, vector<1x16xf32>,
        %swap3A_485 = vector.shape_cast %swap3A_484 : vector<1x16xf32> to vector<16xf32>
        %swap3A_486 = vector.shape_cast %max3A_477 : vector<16xf32> to vector<1x16xf32>
        tpu.vector_store %swap3A_481[%swap3A_482, %swap3A_483], %swap3A_486 {strides = array<i32>} : memref<128x128xf32, #tpu.memory_space<vmem>>, vector<1x16xf32>,
        %get3A_487 = arith.constant 0 : i32
        %get3A_488 = arith.constant 0 : i32
        %get3A_489 = tpu.memref_slice %arg6[%scan3A_201, %get3A_487, %get3A_488] : memref<5x128x128xf32, #tpu.memory_space<vmem>> -> memref<1x128x128xf32, #tpu.memory_space<vmem>>
        %get3A_490 = tpu.memref_squeeze %get3A_489 : memref<1x128x128xf32, #tpu.memory_space<vmem>> -> memref<128x128xf32, #tpu.memory_space<vmem>>
        %get3A_491 = arith.index_cast %scan3A_369 : i32 to index
        %get3A_492 = arith.constant 96 : index
        %get3A_493 = tpu.vector_load %get3A_490[%get3A_491, %get3A_492] {strides = array<i32>} : memref<128x128xf32, #tpu.memory_space<vmem>>, vector<1x16xf32>,
        %get3A_494 = vector.shape_cast %get3A_493 : vector<1x16xf32> to vector<16xf32>
        %max3A_495 = arith.constant 0.000000e+00 : f32
        %max3A_496 = vector.broadcast %max3A_495 : f32 to vector<16xf32>
        %max3A_497 = arith.maximumf %get3A_494, %max3A_496 : vector<16xf32>
        %swap3A_498 = arith.constant 0 : i32
        %swap3A_499 = arith.constant 0 : i32
        %swap3A_500 = tpu.memref_slice %arg6[%scan3A_201, %swap3A_498, %swap3A_499] : memref<5x128x128xf32, #tpu.memory_space<vmem>> -> memref<1x128x128xf32, #tpu.memory_space<vmem>>
        %swap3A_501 = tpu.memref_squeeze %swap3A_500 : memref<1x128x128xf32, #tpu.memory_space<vmem>> -> memref<128x128xf32, #tpu.memory_space<vmem>>
        %swap3A_502 = arith.index_cast %scan3A_369 : i32 to index
        %swap3A_503 = arith.constant 96 : index
        %swap3A_504 = tpu.vector_load %swap3A_501[%swap3A_502, %swap3A_503] {strides = array<i32>} : memref<128x128xf32, #tpu.memory_space<vmem>>, vector<1x16xf32>,
        %swap3A_505 = vector.shape_cast %swap3A_504 : vector<1x16xf32> to vector<16xf32>
        %swap3A_506 = vector.shape_cast %max3A_497 : vector<16xf32> to vector<1x16xf32>
        tpu.vector_store %swap3A_501[%swap3A_502, %swap3A_503], %swap3A_506 {strides = array<i32>} : memref<128x128xf32, #tpu.memory_space<vmem>>, vector<1x16xf32>,
        %get3A_507 = arith.constant 0 : i32
        %get3A_508 = arith.constant 0 : i32
        %get3A_509 = tpu.memref_slice %arg6[%scan3A_201, %get3A_507, %get3A_508] : memref<5x128x128xf32, #tpu.memory_space<vmem>> -> memref<1x128x128xf32, #tpu.memory_space<vmem>>
        %get3A_510 = tpu.memref_squeeze %get3A_509 : memref<1x128x128xf32, #tpu.memory_space<vmem>> -> memref<128x128xf32, #tpu.memory_space<vmem>>
        %get3A_511 = arith.index_cast %scan3A_369 : i32 to index
        %get3A_512 = arith.constant 112 : index
        %get3A_513 = tpu.vector_load %get3A_510[%get3A_511, %get3A_512] {strides = array<i32>} : memref<128x128xf32, #tpu.memory_space<vmem>>, vector<1x16xf32>,
        %get3A_514 = vector.shape_cast %get3A_513 : vector<1x16xf32> to vector<16xf32>
        %max3A_515 = arith.constant 0.000000e+00 : f32
        %max3A_516 = vector.broadcast %max3A_515 : f32 to vector<16xf32>
        %max3A_517 = arith.maximumf %get3A_514, %max3A_516 : vector<16xf32>
        %swap3A_518 = arith.constant 0 : i32
        %swap3A_519 = arith.constant 0 : i32
        %swap3A_520 = tpu.memref_slice %arg6[%scan3A_201, %swap3A_518, %swap3A_519] : memref<5x128x128xf32, #tpu.memory_space<vmem>> -> memref<1x128x128xf32, #tpu.memory_space<vmem>>
        %swap3A_521 = tpu.memref_squeeze %swap3A_520 : memref<1x128x128xf32, #tpu.memory_space<vmem>> -> memref<128x128xf32, #tpu.memory_space<vmem>>
        %swap3A_522 = arith.index_cast %scan3A_369 : i32 to index
        %swap3A_523 = arith.constant 112 : index
        %swap3A_524 = tpu.vector_load %swap3A_521[%swap3A_522, %swap3A_523] {strides = array<i32>} : memref<128x128xf32, #tpu.memory_space<vmem>>, vector<1x16xf32>,
        %swap3A_525 = vector.shape_cast %swap3A_524 : vector<1x16xf32> to vector<16xf32>
        %swap3A_526 = vector.shape_cast %max3A_517 : vector<16xf32> to vector<1x16xf32>
        tpu.vector_store %swap3A_521[%swap3A_522, %swap3A_523], %swap3A_526 {strides = array<i32>} : memref<128x128xf32, #tpu.memory_space<vmem>>, vector<1x16xf32>,
      }
      %scan3A_206 = arith.constant 128 : i32
      %mul3A_207 = arith.constant 128 : i32
      %mul3A_208 = arith.muli %add3A_188, %mul3A_207 : i32
      %add3A_209 = arith.addi %mul3A_2, %mul3A_208 : i32
      %dma_start3A_210 = arith.constant 1 : i32
      %dma_start3A_211 = arith.constant 0 : i32
      %dma_start3A_212 = arith.constant 0 : i32
      %dma_start3A_213 = tpu.memref_slice %arg6[%dma_start3A_210, %dma_start3A_211, %dma_start3A_212] : memref<5x128x128xf32, #tpu.memory_space<vmem>> -> memref<1x128x128xf32, #tpu.memory_space<vmem>>
      %dma_start3A_214 = tpu.memref_squeeze %dma_start3A_213 : memref<1x128x128xf32, #tpu.memory_space<vmem>> -> memref<128x128xf32, #tpu.memory_space<vmem>>
      %dma_start3A_215 = arith.constant 0 : i32
      %dma_start3A_216 = tpu.memref_slice %arg4[%add3A_209, %dma_start3A_215] : memref<204800x128xf32, #tpu.memory_space<hbm>> -> memref<128x128xf32, #tpu.memory_space<hbm>>
      %dma_start3A_217 = arith.constant 0 : i32
      %dma_start3A_218 = tpu.memref_slice %arg4[%add3A_209, %dma_start3A_217] : memref<204800x128xf32, #tpu.memory_space<hbm>> -> memref<128x128xf32, #tpu.memory_space<hbm>>
      %dma_start3A_219 = arith.constant 0 : i32
      %dma_start3A_220 = arith.constant 0 : i32
      %dma_start3A_221 = tpu.memref_slice %arg6[%dma_start3A_210, %dma_start3A_219, %dma_start3A_220] : memref<5x128x128xf32, #tpu.memory_space<vmem>> -> memref<1x128x128xf32, #tpu.memory_space<vmem>>
      %dma_start3A_222 = tpu.memref_squeeze %dma_start3A_221 : memref<1x128x128xf32, #tpu.memory_space<vmem>> -> memref<128x128xf32, #tpu.memory_space<vmem>>
      tpu.enqueue_dma source(%dma_start3A_222 : memref<128x128xf32, #tpu.memory_space<vmem>>) target(%dma_start3A_218 : memref<128x128xf32, #tpu.memory_space<hbm>>) target_semaphore(%arg13 : memref<!tpu.dma_semaphore, #tpu.memory_space<semaphore_mem>>)
      %add3A_223 = arith.constant 5 : i32
      %add3A_224 = arith.addi %add3A_188, %add3A_223 : i32
      %lt3A_225 = arith.constant 50 : i32
      %lt3A_226 = arith.cmpi slt, %add3A_224, %lt3A_225 : i32
      %convert_element_type3A_227 = arith.extui %lt3A_226 : i1 to i32
      %cond3A_228 = arith.constant 1 : i32
      %cond3A_229 = arith.constant 0 : i32
      %cond3A_230 = arith.cmpi ne, %convert_element_type3A_227, %cond3A_229 : i32
      scf.if %cond3A_230 {
        %mul3A_369 = arith.constant 128 : i32
        %mul3A_370 = arith.muli %add3A_188, %mul3A_369 : i32
        %add3A_371 = arith.addi %mul3A_2, %mul3A_370 : i32
        %dma_wait3A_372 = arith.constant 0 : i32
        %dma_wait3A_373 = arith.constant 0 : i32
        %dma_wait3A_374 = tpu.memref_slice %arg6[%cond3A_228, %dma_wait3A_372, %dma_wait3A_373] : memref<5x128x128xf32, #tpu.memory_space<vmem>> -> memref<1x128x128xf32, #tpu.memory_space<vmem>>
        %dma_wait3A_375 = tpu.memref_squeeze %dma_wait3A_374 : memref<1x128x128xf32, #tpu.memory_space<vmem>> -> memref<128x128xf32, #tpu.memory_space<vmem>>
        %dma_wait3A_376 = arith.constant 0 : i32
        %dma_wait3A_377 = tpu.memref_slice %arg4[%add3A_371, %dma_wait3A_376] : memref<204800x128xf32, #tpu.memory_space<hbm>> -> memref<128x128xf32, #tpu.memory_space<hbm>>
        %dma_wait3A_378 = arith.constant 0 : i32
        %dma_wait3A_379 = tpu.memref_slice %arg4[%add3A_371, %dma_wait3A_378] : memref<204800x128xf32, #tpu.memory_space<hbm>> -> memref<128x128xf32, #tpu.memory_space<hbm>>
        %dma_wait3A_380 = arith.constant 0 : i32
        %dma_wait3A_381 = arith.constant 0 : i32
        %dma_wait3A_382 = tpu.memref_slice %arg6[%cond3A_228, %dma_wait3A_380, %dma_wait3A_381] : memref<5x128x128xf32, #tpu.memory_space<vmem>> -> memref<1x128x128xf32, #tpu.memory_space<vmem>>
        %dma_wait3A_383 = tpu.memref_squeeze %dma_wait3A_382 : memref<1x128x128xf32, #tpu.memory_space<vmem>> -> memref<128x128xf32, #tpu.memory_space<vmem>>
        tpu.wait_dma2 semaphore(%arg13 : memref<!tpu.dma_semaphore, #tpu.memory_space<semaphore_mem>>) src(%dma_wait3A_383 : memref<128x128xf32, #tpu.memory_space<vmem>>) dst(%dma_wait3A_379 : memref<128x128xf32, #tpu.memory_space<hbm>>)
        %add3A_384 = arith.constant 5 : i32
        %add3A_385 = arith.addi %add3A_188, %add3A_384 : i32
        %dma_start3A_386 = arith.constant 1 : i32
        %dma_start3A_387 = arith.constant 0 : i32
        %dma_start3A_388 = arith.constant 0 : i32
        %dma_start3A_389 = tpu.memref_slice %arg6[%dma_start3A_386, %dma_start3A_387, %dma_start3A_388] : memref<5x128x128xf32, #tpu.memory_space<vmem>> -> memref<1x128x128xf32, #tpu.memory_space<vmem>>
        %dma_start3A_390 = tpu.memref_squeeze %dma_start3A_389 : memref<1x128x128xf32, #tpu.memory_space<vmem>> -> memref<128x128xf32, #tpu.memory_space<vmem>>
        %dma_start3A_391 = arith.constant 0 : i32
        %dma_start3A_392 = tpu.memref_slice %arg5[%add3A_385, %dma_start3A_391] : memref<50x128xi32, #tpu.memory_space<vmem>> -> memref<1x128xi32, #tpu.memory_space<vmem>>
        %dma_start3A_393 = tpu.memref_squeeze %dma_start3A_392 : memref<1x128xi32, #tpu.memory_space<vmem>> -> memref<128xi32, #tpu.memory_space<vmem>>
        %dma_start3A_394 = arith.constant 0 : i32
        %dma_start3A_395 = arith.constant 0 : i32
        %dma_start3A_396 = tpu.memref_slice %arg3[%dma_start3A_394, %dma_start3A_395] : memref<100000x128xf32, #tpu.memory_space<hbm>> -> memref<100000x128xf32, #tpu.memory_space<hbm>>
        tpu.enqueue_indirect_dma source(%dma_start3A_396 : memref<100000x128xf32, #tpu.memory_space<hbm>>) target(%dma_start3A_390 : memref<128x128xf32, #tpu.memory_space<vmem>>) offsets(%dma_start3A_393 : memref<128xi32, #tpu.memory_space<vmem>>) semaphore(%arg8 : memref<!tpu.dma_semaphore, #tpu.memory_space<semaphore_mem>>)
      } else {
      }
      %mul3A_231 = arith.constant 5 : i32
      %mul3A_232 = arith.muli %scan3A_141, %mul3A_231 : i32
      %add3A_233 = arith.constant 2 : i32
      %add3A_234 = arith.addi %mul3A_232, %add3A_233 : i32
      %dma_wait3A_235 = arith.constant 2 : i32
      %dma_wait3A_236 = arith.constant 0 : i32
      %dma_wait3A_237 = arith.constant 0 : i32
      %dma_wait3A_238 = tpu.memref_slice %arg6[%dma_wait3A_235, %dma_wait3A_236, %dma_wait3A_237] : memref<5x128x128xf32, #tpu.memory_space<vmem>> -> memref<1x128x128xf32, #tpu.memory_space<vmem>>
      %dma_wait3A_239 = tpu.memref_squeeze %dma_wait3A_238 : memref<1x128x128xf32, #tpu.memory_space<vmem>> -> memref<128x128xf32, #tpu.memory_space<vmem>>
      %dma_wait3A_240 = arith.constant 0 : i32
      %dma_wait3A_241 = tpu.memref_slice %arg5[%add3A_234, %dma_wait3A_240] : memref<50x128xi32, #tpu.memory_space<vmem>> -> memref<1x128xi32, #tpu.memory_space<vmem>>
      %dma_wait3A_242 = tpu.memref_squeeze %dma_wait3A_241 : memref<1x128xi32, #tpu.memory_space<vmem>> -> memref<128xi32, #tpu.memory_space<vmem>>
      %dma_wait3A_243 = arith.constant 0 : i32
      %dma_wait3A_244 = arith.constant 0 : i32
      %dma_wait3A_245 = tpu.memref_slice %arg3[%dma_wait3A_243, %dma_wait3A_244] : memref<100000x128xf32, #tpu.memory_space<hbm>> -> memref<100000x128xf32, #tpu.memory_space<hbm>>
      tpu.wait_indirect_dma semaphore(%arg9 : memref<!tpu.dma_semaphore, #tpu.memory_space<semaphore_mem>>) src(%dma_wait3A_245 : memref<100000x128xf32, #tpu.memory_space<hbm>>) dst(%dma_wait3A_239 : memref<128x128xf32, #tpu.memory_space<vmem>>)
      %scan3A_246 = arith.constant 0 : i32
      %scan3A_247 = arith.constant 2 : i32
      %scan3A_248 = arith.constant 0 : i32
      %scan3A_249 = arith.constant 128 : i32
      %scan3A_250 = arith.addi %scan3A_248, %scan3A_249 : i32
      %scan3A_251 = arith.constant 1 : i32
      scf.for %scan3A_369 = %scan3A_248 to %scan3A_250 step %scan3A_251  : i32 {
        %get3A = arith.constant 0 : i32
        %get3A_370 = arith.constant 0 : i32
        %get3A_371 = tpu.memref_slice %arg6[%scan3A_247, %get3A, %get3A_370] : memref<5x128x128xf32, #tpu.memory_space<vmem>> -> memref<1x128x128xf32, #tpu.memory_space<vmem>>
        %get3A_372 = tpu.memref_squeeze %get3A_371 : memref<1x128x128xf32, #tpu.memory_space<vmem>> -> memref<128x128xf32, #tpu.memory_space<vmem>>
        %get3A_373 = arith.index_cast %scan3A_369 : i32 to index
        %get3A_374 = arith.constant 0 : index
        %get3A_375 = tpu.vector_load %get3A_372[%get3A_373, %get3A_374] {strides = array<i32>} : memref<128x128xf32, #tpu.memory_space<vmem>>, vector<1x16xf32>,
        %get3A_376 = vector.shape_cast %get3A_375 : vector<1x16xf32> to vector<16xf32>
        %max3A = arith.constant 0.000000e+00 : f32
        %max3A_377 = vector.broadcast %max3A : f32 to vector<16xf32>
        %max3A_378 = arith.maximumf %get3A_376, %max3A_377 : vector<16xf32>
        %swap3A = arith.constant 0 : i32
        %swap3A_379 = arith.constant 0 : i32
        %swap3A_380 = tpu.memref_slice %arg6[%scan3A_247, %swap3A, %swap3A_379] : memref<5x128x128xf32, #tpu.memory_space<vmem>> -> memref<1x128x128xf32, #tpu.memory_space<vmem>>
        %swap3A_381 = tpu.memref_squeeze %swap3A_380 : memref<1x128x128xf32, #tpu.memory_space<vmem>> -> memref<128x128xf32, #tpu.memory_space<vmem>>
        %swap3A_382 = arith.index_cast %scan3A_369 : i32 to index
        %swap3A_383 = arith.constant 0 : index
        %swap3A_384 = tpu.vector_load %swap3A_381[%swap3A_382, %swap3A_383] {strides = array<i32>} : memref<128x128xf32, #tpu.memory_space<vmem>>, vector<1x16xf32>,
        %swap3A_385 = vector.shape_cast %swap3A_384 : vector<1x16xf32> to vector<16xf32>
        %swap3A_386 = vector.shape_cast %max3A_378 : vector<16xf32> to vector<1x16xf32>
        tpu.vector_store %swap3A_381[%swap3A_382, %swap3A_383], %swap3A_386 {strides = array<i32>} : memref<128x128xf32, #tpu.memory_space<vmem>>, vector<1x16xf32>,
        %get3A_387 = arith.constant 0 : i32
        %get3A_388 = arith.constant 0 : i32
        %get3A_389 = tpu.memref_slice %arg6[%scan3A_247, %get3A_387, %get3A_388] : memref<5x128x128xf32, #tpu.memory_space<vmem>> -> memref<1x128x128xf32, #tpu.memory_space<vmem>>
        %get3A_390 = tpu.memref_squeeze %get3A_389 : memref<1x128x128xf32, #tpu.memory_space<vmem>> -> memref<128x128xf32, #tpu.memory_space<vmem>>
        %get3A_391 = arith.index_cast %scan3A_369 : i32 to index
        %get3A_392 = arith.constant 16 : index
        %get3A_393 = tpu.vector_load %get3A_390[%get3A_391, %get3A_392] {strides = array<i32>} : memref<128x128xf32, #tpu.memory_space<vmem>>, vector<1x16xf32>,
        %get3A_394 = vector.shape_cast %get3A_393 : vector<1x16xf32> to vector<16xf32>
        %max3A_395 = arith.constant 0.000000e+00 : f32
        %max3A_396 = vector.broadcast %max3A_395 : f32 to vector<16xf32>
        %max3A_397 = arith.maximumf %get3A_394, %max3A_396 : vector<16xf32>
        %swap3A_398 = arith.constant 0 : i32
        %swap3A_399 = arith.constant 0 : i32
        %swap3A_400 = tpu.memref_slice %arg6[%scan3A_247, %swap3A_398, %swap3A_399] : memref<5x128x128xf32, #tpu.memory_space<vmem>> -> memref<1x128x128xf32, #tpu.memory_space<vmem>>
        %swap3A_401 = tpu.memref_squeeze %swap3A_400 : memref<1x128x128xf32, #tpu.memory_space<vmem>> -> memref<128x128xf32, #tpu.memory_space<vmem>>
        %swap3A_402 = arith.index_cast %scan3A_369 : i32 to index
        %swap3A_403 = arith.constant 16 : index
        %swap3A_404 = tpu.vector_load %swap3A_401[%swap3A_402, %swap3A_403] {strides = array<i32>} : memref<128x128xf32, #tpu.memory_space<vmem>>, vector<1x16xf32>,
        %swap3A_405 = vector.shape_cast %swap3A_404 : vector<1x16xf32> to vector<16xf32>
        %swap3A_406 = vector.shape_cast %max3A_397 : vector<16xf32> to vector<1x16xf32>
        tpu.vector_store %swap3A_401[%swap3A_402, %swap3A_403], %swap3A_406 {strides = array<i32>} : memref<128x128xf32, #tpu.memory_space<vmem>>, vector<1x16xf32>,
        %get3A_407 = arith.constant 0 : i32
        %get3A_408 = arith.constant 0 : i32
        %get3A_409 = tpu.memref_slice %arg6[%scan3A_247, %get3A_407, %get3A_408] : memref<5x128x128xf32, #tpu.memory_space<vmem>> -> memref<1x128x128xf32, #tpu.memory_space<vmem>>
        %get3A_410 = tpu.memref_squeeze %get3A_409 : memref<1x128x128xf32, #tpu.memory_space<vmem>> -> memref<128x128xf32, #tpu.memory_space<vmem>>
        %get3A_411 = arith.index_cast %scan3A_369 : i32 to index
        %get3A_412 = arith.constant 32 : index
        %get3A_413 = tpu.vector_load %get3A_410[%get3A_411, %get3A_412] {strides = array<i32>} : memref<128x128xf32, #tpu.memory_space<vmem>>, vector<1x16xf32>,
        %get3A_414 = vector.shape_cast %get3A_413 : vector<1x16xf32> to vector<16xf32>
        %max3A_415 = arith.constant 0.000000e+00 : f32
        %max3A_416 = vector.broadcast %max3A_415 : f32 to vector<16xf32>
        %max3A_417 = arith.maximumf %get3A_414, %max3A_416 : vector<16xf32>
        %swap3A_418 = arith.constant 0 : i32
        %swap3A_419 = arith.constant 0 : i32
        %swap3A_420 = tpu.memref_slice %arg6[%scan3A_247, %swap3A_418, %swap3A_419] : memref<5x128x128xf32, #tpu.memory_space<vmem>> -> memref<1x128x128xf32, #tpu.memory_space<vmem>>
        %swap3A_421 = tpu.memref_squeeze %swap3A_420 : memref<1x128x128xf32, #tpu.memory_space<vmem>> -> memref<128x128xf32, #tpu.memory_space<vmem>>
        %swap3A_422 = arith.index_cast %scan3A_369 : i32 to index
        %swap3A_423 = arith.constant 32 : index
        %swap3A_424 = tpu.vector_load %swap3A_421[%swap3A_422, %swap3A_423] {strides = array<i32>} : memref<128x128xf32, #tpu.memory_space<vmem>>, vector<1x16xf32>,
        %swap3A_425 = vector.shape_cast %swap3A_424 : vector<1x16xf32> to vector<16xf32>
        %swap3A_426 = vector.shape_cast %max3A_417 : vector<16xf32> to vector<1x16xf32>
        tpu.vector_store %swap3A_421[%swap3A_422, %swap3A_423], %swap3A_426 {strides = array<i32>} : memref<128x128xf32, #tpu.memory_space<vmem>>, vector<1x16xf32>,
        %get3A_427 = arith.constant 0 : i32
        %get3A_428 = arith.constant 0 : i32
        %get3A_429 = tpu.memref_slice %arg6[%scan3A_247, %get3A_427, %get3A_428] : memref<5x128x128xf32, #tpu.memory_space<vmem>> -> memref<1x128x128xf32, #tpu.memory_space<vmem>>
        %get3A_430 = tpu.memref_squeeze %get3A_429 : memref<1x128x128xf32, #tpu.memory_space<vmem>> -> memref<128x128xf32, #tpu.memory_space<vmem>>
        %get3A_431 = arith.index_cast %scan3A_369 : i32 to index
        %get3A_432 = arith.constant 48 : index
        %get3A_433 = tpu.vector_load %get3A_430[%get3A_431, %get3A_432] {strides = array<i32>} : memref<128x128xf32, #tpu.memory_space<vmem>>, vector<1x16xf32>,
        %get3A_434 = vector.shape_cast %get3A_433 : vector<1x16xf32> to vector<16xf32>
        %max3A_435 = arith.constant 0.000000e+00 : f32
        %max3A_436 = vector.broadcast %max3A_435 : f32 to vector<16xf32>
        %max3A_437 = arith.maximumf %get3A_434, %max3A_436 : vector<16xf32>
        %swap3A_438 = arith.constant 0 : i32
        %swap3A_439 = arith.constant 0 : i32
        %swap3A_440 = tpu.memref_slice %arg6[%scan3A_247, %swap3A_438, %swap3A_439] : memref<5x128x128xf32, #tpu.memory_space<vmem>> -> memref<1x128x128xf32, #tpu.memory_space<vmem>>
        %swap3A_441 = tpu.memref_squeeze %swap3A_440 : memref<1x128x128xf32, #tpu.memory_space<vmem>> -> memref<128x128xf32, #tpu.memory_space<vmem>>
        %swap3A_442 = arith.index_cast %scan3A_369 : i32 to index
        %swap3A_443 = arith.constant 48 : index
        %swap3A_444 = tpu.vector_load %swap3A_441[%swap3A_442, %swap3A_443] {strides = array<i32>} : memref<128x128xf32, #tpu.memory_space<vmem>>, vector<1x16xf32>,
        %swap3A_445 = vector.shape_cast %swap3A_444 : vector<1x16xf32> to vector<16xf32>
        %swap3A_446 = vector.shape_cast %max3A_437 : vector<16xf32> to vector<1x16xf32>
        tpu.vector_store %swap3A_441[%swap3A_442, %swap3A_443], %swap3A_446 {strides = array<i32>} : memref<128x128xf32, #tpu.memory_space<vmem>>, vector<1x16xf32>,
        %get3A_447 = arith.constant 0 : i32
        %get3A_448 = arith.constant 0 : i32
        %get3A_449 = tpu.memref_slice %arg6[%scan3A_247, %get3A_447, %get3A_448] : memref<5x128x128xf32, #tpu.memory_space<vmem>> -> memref<1x128x128xf32, #tpu.memory_space<vmem>>
        %get3A_450 = tpu.memref_squeeze %get3A_449 : memref<1x128x128xf32, #tpu.memory_space<vmem>> -> memref<128x128xf32, #tpu.memory_space<vmem>>
        %get3A_451 = arith.index_cast %scan3A_369 : i32 to index
        %get3A_452 = arith.constant 64 : index
        %get3A_453 = tpu.vector_load %get3A_450[%get3A_451, %get3A_452] {strides = array<i32>} : memref<128x128xf32, #tpu.memory_space<vmem>>, vector<1x16xf32>,
        %get3A_454 = vector.shape_cast %get3A_453 : vector<1x16xf32> to vector<16xf32>
        %max3A_455 = arith.constant 0.000000e+00 : f32
        %max3A_456 = vector.broadcast %max3A_455 : f32 to vector<16xf32>
        %max3A_457 = arith.maximumf %get3A_454, %max3A_456 : vector<16xf32>
        %swap3A_458 = arith.constant 0 : i32
        %swap3A_459 = arith.constant 0 : i32
        %swap3A_460 = tpu.memref_slice %arg6[%scan3A_247, %swap3A_458, %swap3A_459] : memref<5x128x128xf32, #tpu.memory_space<vmem>> -> memref<1x128x128xf32, #tpu.memory_space<vmem>>
        %swap3A_461 = tpu.memref_squeeze %swap3A_460 : memref<1x128x128xf32, #tpu.memory_space<vmem>> -> memref<128x128xf32, #tpu.memory_space<vmem>>
        %swap3A_462 = arith.index_cast %scan3A_369 : i32 to index
        %swap3A_463 = arith.constant 64 : index
        %swap3A_464 = tpu.vector_load %swap3A_461[%swap3A_462, %swap3A_463] {strides = array<i32>} : memref<128x128xf32, #tpu.memory_space<vmem>>, vector<1x16xf32>,
        %swap3A_465 = vector.shape_cast %swap3A_464 : vector<1x16xf32> to vector<16xf32>
        %swap3A_466 = vector.shape_cast %max3A_457 : vector<16xf32> to vector<1x16xf32>
        tpu.vector_store %swap3A_461[%swap3A_462, %swap3A_463], %swap3A_466 {strides = array<i32>} : memref<128x128xf32, #tpu.memory_space<vmem>>, vector<1x16xf32>,
        %get3A_467 = arith.constant 0 : i32
        %get3A_468 = arith.constant 0 : i32
        %get3A_469 = tpu.memref_slice %arg6[%scan3A_247, %get3A_467, %get3A_468] : memref<5x128x128xf32, #tpu.memory_space<vmem>> -> memref<1x128x128xf32, #tpu.memory_space<vmem>>
        %get3A_470 = tpu.memref_squeeze %get3A_469 : memref<1x128x128xf32, #tpu.memory_space<vmem>> -> memref<128x128xf32, #tpu.memory_space<vmem>>
        %get3A_471 = arith.index_cast %scan3A_369 : i32 to index
        %get3A_472 = arith.constant 80 : index
        %get3A_473 = tpu.vector_load %get3A_470[%get3A_471, %get3A_472] {strides = array<i32>} : memref<128x128xf32, #tpu.memory_space<vmem>>, vector<1x16xf32>,
        %get3A_474 = vector.shape_cast %get3A_473 : vector<1x16xf32> to vector<16xf32>
        %max3A_475 = arith.constant 0.000000e+00 : f32
        %max3A_476 = vector.broadcast %max3A_475 : f32 to vector<16xf32>
        %max3A_477 = arith.maximumf %get3A_474, %max3A_476 : vector<16xf32>
        %swap3A_478 = arith.constant 0 : i32
        %swap3A_479 = arith.constant 0 : i32
        %swap3A_480 = tpu.memref_slice %arg6[%scan3A_247, %swap3A_478, %swap3A_479] : memref<5x128x128xf32, #tpu.memory_space<vmem>> -> memref<1x128x128xf32, #tpu.memory_space<vmem>>
        %swap3A_481 = tpu.memref_squeeze %swap3A_480 : memref<1x128x128xf32, #tpu.memory_space<vmem>> -> memref<128x128xf32, #tpu.memory_space<vmem>>
        %swap3A_482 = arith.index_cast %scan3A_369 : i32 to index
        %swap3A_483 = arith.constant 80 : index
        %swap3A_484 = tpu.vector_load %swap3A_481[%swap3A_482, %swap3A_483] {strides = array<i32>} : memref<128x128xf32, #tpu.memory_space<vmem>>, vector<1x16xf32>,
        %swap3A_485 = vector.shape_cast %swap3A_484 : vector<1x16xf32> to vector<16xf32>
        %swap3A_486 = vector.shape_cast %max3A_477 : vector<16xf32> to vector<1x16xf32>
        tpu.vector_store %swap3A_481[%swap3A_482, %swap3A_483], %swap3A_486 {strides = array<i32>} : memref<128x128xf32, #tpu.memory_space<vmem>>, vector<1x16xf32>,
        %get3A_487 = arith.constant 0 : i32
        %get3A_488 = arith.constant 0 : i32
        %get3A_489 = tpu.memref_slice %arg6[%scan3A_247, %get3A_487, %get3A_488] : memref<5x128x128xf32, #tpu.memory_space<vmem>> -> memref<1x128x128xf32, #tpu.memory_space<vmem>>
        %get3A_490 = tpu.memref_squeeze %get3A_489 : memref<1x128x128xf32, #tpu.memory_space<vmem>> -> memref<128x128xf32, #tpu.memory_space<vmem>>
        %get3A_491 = arith.index_cast %scan3A_369 : i32 to index
        %get3A_492 = arith.constant 96 : index
        %get3A_493 = tpu.vector_load %get3A_490[%get3A_491, %get3A_492] {strides = array<i32>} : memref<128x128xf32, #tpu.memory_space<vmem>>, vector<1x16xf32>,
        %get3A_494 = vector.shape_cast %get3A_493 : vector<1x16xf32> to vector<16xf32>
        %max3A_495 = arith.constant 0.000000e+00 : f32
        %max3A_496 = vector.broadcast %max3A_495 : f32 to vector<16xf32>
        %max3A_497 = arith.maximumf %get3A_494, %max3A_496 : vector<16xf32>
        %swap3A_498 = arith.constant 0 : i32
        %swap3A_499 = arith.constant 0 : i32
        %swap3A_500 = tpu.memref_slice %arg6[%scan3A_247, %swap3A_498, %swap3A_499] : memref<5x128x128xf32, #tpu.memory_space<vmem>> -> memref<1x128x128xf32, #tpu.memory_space<vmem>>
        %swap3A_501 = tpu.memref_squeeze %swap3A_500 : memref<1x128x128xf32, #tpu.memory_space<vmem>> -> memref<128x128xf32, #tpu.memory_space<vmem>>
        %swap3A_502 = arith.index_cast %scan3A_369 : i32 to index
        %swap3A_503 = arith.constant 96 : index
        %swap3A_504 = tpu.vector_load %swap3A_501[%swap3A_502, %swap3A_503] {strides = array<i32>} : memref<128x128xf32, #tpu.memory_space<vmem>>, vector<1x16xf32>,
        %swap3A_505 = vector.shape_cast %swap3A_504 : vector<1x16xf32> to vector<16xf32>
        %swap3A_506 = vector.shape_cast %max3A_497 : vector<16xf32> to vector<1x16xf32>
        tpu.vector_store %swap3A_501[%swap3A_502, %swap3A_503], %swap3A_506 {strides = array<i32>} : memref<128x128xf32, #tpu.memory_space<vmem>>, vector<1x16xf32>,
        %get3A_507 = arith.constant 0 : i32
        %get3A_508 = arith.constant 0 : i32
        %get3A_509 = tpu.memref_slice %arg6[%scan3A_247, %get3A_507, %get3A_508] : memref<5x128x128xf32, #tpu.memory_space<vmem>> -> memref<1x128x128xf32, #tpu.memory_space<vmem>>
        %get3A_510 = tpu.memref_squeeze %get3A_509 : memref<1x128x128xf32, #tpu.memory_space<vmem>> -> memref<128x128xf32, #tpu.memory_space<vmem>>
        %get3A_511 = arith.index_cast %scan3A_369 : i32 to index
        %get3A_512 = arith.constant 112 : index
        %get3A_513 = tpu.vector_load %get3A_510[%get3A_511, %get3A_512] {strides = array<i32>} : memref<128x128xf32, #tpu.memory_space<vmem>>, vector<1x16xf32>,
        %get3A_514 = vector.shape_cast %get3A_513 : vector<1x16xf32> to vector<16xf32>
        %max3A_515 = arith.constant 0.000000e+00 : f32
        %max3A_516 = vector.broadcast %max3A_515 : f32 to vector<16xf32>
        %max3A_517 = arith.maximumf %get3A_514, %max3A_516 : vector<16xf32>
        %swap3A_518 = arith.constant 0 : i32
        %swap3A_519 = arith.constant 0 : i32
        %swap3A_520 = tpu.memref_slice %arg6[%scan3A_247, %swap3A_518, %swap3A_519] : memref<5x128x128xf32, #tpu.memory_space<vmem>> -> memref<1x128x128xf32, #tpu.memory_space<vmem>>
        %swap3A_521 = tpu.memref_squeeze %swap3A_520 : memref<1x128x128xf32, #tpu.memory_space<vmem>> -> memref<128x128xf32, #tpu.memory_space<vmem>>
        %swap3A_522 = arith.index_cast %scan3A_369 : i32 to index
        %swap3A_523 = arith.constant 112 : index
        %swap3A_524 = tpu.vector_load %swap3A_521[%swap3A_522, %swap3A_523] {strides = array<i32>} : memref<128x128xf32, #tpu.memory_space<vmem>>, vector<1x16xf32>,
        %swap3A_525 = vector.shape_cast %swap3A_524 : vector<1x16xf32> to vector<16xf32>
        %swap3A_526 = vector.shape_cast %max3A_517 : vector<16xf32> to vector<1x16xf32>
        tpu.vector_store %swap3A_521[%swap3A_522, %swap3A_523], %swap3A_526 {strides = array<i32>} : memref<128x128xf32, #tpu.memory_space<vmem>>, vector<1x16xf32>,
      }
      %scan3A_252 = arith.constant 128 : i32
      %mul3A_253 = arith.constant 128 : i32
      %mul3A_254 = arith.muli %add3A_234, %mul3A_253 : i32
      %add3A_255 = arith.addi %mul3A_2, %mul3A_254 : i32
      %dma_start3A_256 = arith.constant 2 : i32
      %dma_start3A_257 = arith.constant 0 : i32
      %dma_start3A_258 = arith.constant 0 : i32
      %dma_start3A_259 = tpu.memref_slice %arg6[%dma_start3A_256, %dma_start3A_257, %dma_start3A_258] : memref<5x128x128xf32, #tpu.memory_space<vmem>> -> memref<1x128x128xf32, #tpu.memory_space<vmem>>
      %dma_start3A_260 = tpu.memref_squeeze %dma_start3A_259 : memref<1x128x128xf32, #tpu.memory_space<vmem>> -> memref<128x128xf32, #tpu.memory_space<vmem>>
      %dma_start3A_261 = arith.constant 0 : i32
      %dma_start3A_262 = tpu.memref_slice %arg4[%add3A_255, %dma_start3A_261] : memref<204800x128xf32, #tpu.memory_space<hbm>> -> memref<128x128xf32, #tpu.memory_space<hbm>>
      %dma_start3A_263 = arith.constant 0 : i32
      %dma_start3A_264 = tpu.memref_slice %arg4[%add3A_255, %dma_start3A_263] : memref<204800x128xf32, #tpu.memory_space<hbm>> -> memref<128x128xf32, #tpu.memory_space<hbm>>
      %dma_start3A_265 = arith.constant 0 : i32
      %dma_start3A_266 = arith.constant 0 : i32
      %dma_start3A_267 = tpu.memref_slice %arg6[%dma_start3A_256, %dma_start3A_265, %dma_start3A_266] : memref<5x128x128xf32, #tpu.memory_space<vmem>> -> memref<1x128x128xf32, #tpu.memory_space<vmem>>
      %dma_start3A_268 = tpu.memref_squeeze %dma_start3A_267 : memref<1x128x128xf32, #tpu.memory_space<vmem>> -> memref<128x128xf32, #tpu.memory_space<vmem>>
      tpu.enqueue_dma source(%dma_start3A_268 : memref<128x128xf32, #tpu.memory_space<vmem>>) target(%dma_start3A_264 : memref<128x128xf32, #tpu.memory_space<hbm>>) target_semaphore(%arg14 : memref<!tpu.dma_semaphore, #tpu.memory_space<semaphore_mem>>)
      %add3A_269 = arith.constant 5 : i32
      %add3A_270 = arith.addi %add3A_234, %add3A_269 : i32
      %lt3A_271 = arith.constant 50 : i32
      %lt3A_272 = arith.cmpi slt, %add3A_270, %lt3A_271 : i32
      %convert_element_type3A_273 = arith.extui %lt3A_272 : i1 to i32
      %cond3A_274 = arith.constant 2 : i32
      %cond3A_275 = arith.constant 0 : i32
      %cond3A_276 = arith.cmpi ne, %convert_element_type3A_273, %cond3A_275 : i32
      scf.if %cond3A_276 {
        %mul3A_369 = arith.constant 128 : i32
        %mul3A_370 = arith.muli %add3A_234, %mul3A_369 : i32
        %add3A_371 = arith.addi %mul3A_2, %mul3A_370 : i32
        %dma_wait3A_372 = arith.constant 0 : i32
        %dma_wait3A_373 = arith.constant 0 : i32
        %dma_wait3A_374 = tpu.memref_slice %arg6[%cond3A_274, %dma_wait3A_372, %dma_wait3A_373] : memref<5x128x128xf32, #tpu.memory_space<vmem>> -> memref<1x128x128xf32, #tpu.memory_space<vmem>>
        %dma_wait3A_375 = tpu.memref_squeeze %dma_wait3A_374 : memref<1x128x128xf32, #tpu.memory_space<vmem>> -> memref<128x128xf32, #tpu.memory_space<vmem>>
        %dma_wait3A_376 = arith.constant 0 : i32
        %dma_wait3A_377 = tpu.memref_slice %arg4[%add3A_371, %dma_wait3A_376] : memref<204800x128xf32, #tpu.memory_space<hbm>> -> memref<128x128xf32, #tpu.memory_space<hbm>>
        %dma_wait3A_378 = arith.constant 0 : i32
        %dma_wait3A_379 = tpu.memref_slice %arg4[%add3A_371, %dma_wait3A_378] : memref<204800x128xf32, #tpu.memory_space<hbm>> -> memref<128x128xf32, #tpu.memory_space<hbm>>
        %dma_wait3A_380 = arith.constant 0 : i32
        %dma_wait3A_381 = arith.constant 0 : i32
        %dma_wait3A_382 = tpu.memref_slice %arg6[%cond3A_274, %dma_wait3A_380, %dma_wait3A_381] : memref<5x128x128xf32, #tpu.memory_space<vmem>> -> memref<1x128x128xf32, #tpu.memory_space<vmem>>
        %dma_wait3A_383 = tpu.memref_squeeze %dma_wait3A_382 : memref<1x128x128xf32, #tpu.memory_space<vmem>> -> memref<128x128xf32, #tpu.memory_space<vmem>>
        tpu.wait_dma2 semaphore(%arg14 : memref<!tpu.dma_semaphore, #tpu.memory_space<semaphore_mem>>) src(%dma_wait3A_383 : memref<128x128xf32, #tpu.memory_space<vmem>>) dst(%dma_wait3A_379 : memref<128x128xf32, #tpu.memory_space<hbm>>)
        %add3A_384 = arith.constant 5 : i32
        %add3A_385 = arith.addi %add3A_234, %add3A_384 : i32
        %dma_start3A_386 = arith.constant 2 : i32
        %dma_start3A_387 = arith.constant 0 : i32
        %dma_start3A_388 = arith.constant 0 : i32
        %dma_start3A_389 = tpu.memref_slice %arg6[%dma_start3A_386, %dma_start3A_387, %dma_start3A_388] : memref<5x128x128xf32, #tpu.memory_space<vmem>> -> memref<1x128x128xf32, #tpu.memory_space<vmem>>
        %dma_start3A_390 = tpu.memref_squeeze %dma_start3A_389 : memref<1x128x128xf32, #tpu.memory_space<vmem>> -> memref<128x128xf32, #tpu.memory_space<vmem>>
        %dma_start3A_391 = arith.constant 0 : i32
        %dma_start3A_392 = tpu.memref_slice %arg5[%add3A_385, %dma_start3A_391] : memref<50x128xi32, #tpu.memory_space<vmem>> -> memref<1x128xi32, #tpu.memory_space<vmem>>
        %dma_start3A_393 = tpu.memref_squeeze %dma_start3A_392 : memref<1x128xi32, #tpu.memory_space<vmem>> -> memref<128xi32, #tpu.memory_space<vmem>>
        %dma_start3A_394 = arith.constant 0 : i32
        %dma_start3A_395 = arith.constant 0 : i32
        %dma_start3A_396 = tpu.memref_slice %arg3[%dma_start3A_394, %dma_start3A_395] : memref<100000x128xf32, #tpu.memory_space<hbm>> -> memref<100000x128xf32, #tpu.memory_space<hbm>>
        tpu.enqueue_indirect_dma source(%dma_start3A_396 : memref<100000x128xf32, #tpu.memory_space<hbm>>) target(%dma_start3A_390 : memref<128x128xf32, #tpu.memory_space<vmem>>) offsets(%dma_start3A_393 : memref<128xi32, #tpu.memory_space<vmem>>) semaphore(%arg9 : memref<!tpu.dma_semaphore, #tpu.memory_space<semaphore_mem>>)
      } else {
      }
      %mul3A_277 = arith.constant 5 : i32
      %mul3A_278 = arith.muli %scan3A_141, %mul3A_277 : i32
      %add3A_279 = arith.constant 3 : i32
      %add3A_280 = arith.addi %mul3A_278, %add3A_279 : i32
      %dma_wait3A_281 = arith.constant 3 : i32
      %dma_wait3A_282 = arith.constant 0 : i32
      %dma_wait3A_283 = arith.constant 0 : i32
      %dma_wait3A_284 = tpu.memref_slice %arg6[%dma_wait3A_281, %dma_wait3A_282, %dma_wait3A_283] : memref<5x128x128xf32, #tpu.memory_space<vmem>> -> memref<1x128x128xf32, #tpu.memory_space<vmem>>
      %dma_wait3A_285 = tpu.memref_squeeze %dma_wait3A_284 : memref<1x128x128xf32, #tpu.memory_space<vmem>> -> memref<128x128xf32, #tpu.memory_space<vmem>>
      %dma_wait3A_286 = arith.constant 0 : i32
      %dma_wait3A_287 = tpu.memref_slice %arg5[%add3A_280, %dma_wait3A_286] : memref<50x128xi32, #tpu.memory_space<vmem>> -> memref<1x128xi32, #tpu.memory_space<vmem>>
      %dma_wait3A_288 = tpu.memref_squeeze %dma_wait3A_287 : memref<1x128xi32, #tpu.memory_space<vmem>> -> memref<128xi32, #tpu.memory_space<vmem>>
      %dma_wait3A_289 = arith.constant 0 : i32
      %dma_wait3A_290 = arith.constant 0 : i32
      %dma_wait3A_291 = tpu.memref_slice %arg3[%dma_wait3A_289, %dma_wait3A_290] : memref<100000x128xf32, #tpu.memory_space<hbm>> -> memref<100000x128xf32, #tpu.memory_space<hbm>>
      tpu.wait_indirect_dma semaphore(%arg10 : memref<!tpu.dma_semaphore, #tpu.memory_space<semaphore_mem>>) src(%dma_wait3A_291 : memref<100000x128xf32, #tpu.memory_space<hbm>>) dst(%dma_wait3A_285 : memref<128x128xf32, #tpu.memory_space<vmem>>)
      %scan3A_292 = arith.constant 0 : i32
      %scan3A_293 = arith.constant 3 : i32
      %scan3A_294 = arith.constant 0 : i32
      %scan3A_295 = arith.constant 128 : i32
      %scan3A_296 = arith.addi %scan3A_294, %scan3A_295 : i32
      %scan3A_297 = arith.constant 1 : i32
      scf.for %scan3A_369 = %scan3A_294 to %scan3A_296 step %scan3A_297  : i32 {
        %get3A = arith.constant 0 : i32
        %get3A_370 = arith.constant 0 : i32
        %get3A_371 = tpu.memref_slice %arg6[%scan3A_293, %get3A, %get3A_370] : memref<5x128x128xf32, #tpu.memory_space<vmem>> -> memref<1x128x128xf32, #tpu.memory_space<vmem>>
        %get3A_372 = tpu.memref_squeeze %get3A_371 : memref<1x128x128xf32, #tpu.memory_space<vmem>> -> memref<128x128xf32, #tpu.memory_space<vmem>>
        %get3A_373 = arith.index_cast %scan3A_369 : i32 to index
        %get3A_374 = arith.constant 0 : index
        %get3A_375 = tpu.vector_load %get3A_372[%get3A_373, %get3A_374] {strides = array<i32>} : memref<128x128xf32, #tpu.memory_space<vmem>>, vector<1x16xf32>,
        %get3A_376 = vector.shape_cast %get3A_375 : vector<1x16xf32> to vector<16xf32>
        %max3A = arith.constant 0.000000e+00 : f32
        %max3A_377 = vector.broadcast %max3A : f32 to vector<16xf32>
        %max3A_378 = arith.maximumf %get3A_376, %max3A_377 : vector<16xf32>
        %swap3A = arith.constant 0 : i32
        %swap3A_379 = arith.constant 0 : i32
        %swap3A_380 = tpu.memref_slice %arg6[%scan3A_293, %swap3A, %swap3A_379] : memref<5x128x128xf32, #tpu.memory_space<vmem>> -> memref<1x128x128xf32, #tpu.memory_space<vmem>>
        %swap3A_381 = tpu.memref_squeeze %swap3A_380 : memref<1x128x128xf32, #tpu.memory_space<vmem>> -> memref<128x128xf32, #tpu.memory_space<vmem>>
        %swap3A_382 = arith.index_cast %scan3A_369 : i32 to index
        %swap3A_383 = arith.constant 0 : index
        %swap3A_384 = tpu.vector_load %swap3A_381[%swap3A_382, %swap3A_383] {strides = array<i32>} : memref<128x128xf32, #tpu.memory_space<vmem>>, vector<1x16xf32>,
        %swap3A_385 = vector.shape_cast %swap3A_384 : vector<1x16xf32> to vector<16xf32>
        %swap3A_386 = vector.shape_cast %max3A_378 : vector<16xf32> to vector<1x16xf32>
        tpu.vector_store %swap3A_381[%swap3A_382, %swap3A_383], %swap3A_386 {strides = array<i32>} : memref<128x128xf32, #tpu.memory_space<vmem>>, vector<1x16xf32>,
        %get3A_387 = arith.constant 0 : i32
        %get3A_388 = arith.constant 0 : i32
        %get3A_389 = tpu.memref_slice %arg6[%scan3A_293, %get3A_387, %get3A_388] : memref<5x128x128xf32, #tpu.memory_space<vmem>> -> memref<1x128x128xf32, #tpu.memory_space<vmem>>
        %get3A_390 = tpu.memref_squeeze %get3A_389 : memref<1x128x128xf32, #tpu.memory_space<vmem>> -> memref<128x128xf32, #tpu.memory_space<vmem>>
        %get3A_391 = arith.index_cast %scan3A_369 : i32 to index
        %get3A_392 = arith.constant 16 : index
        %get3A_393 = tpu.vector_load %get3A_390[%get3A_391, %get3A_392] {strides = array<i32>} : memref<128x128xf32, #tpu.memory_space<vmem>>, vector<1x16xf32>,
        %get3A_394 = vector.shape_cast %get3A_393 : vector<1x16xf32> to vector<16xf32>
        %max3A_395 = arith.constant 0.000000e+00 : f32
        %max3A_396 = vector.broadcast %max3A_395 : f32 to vector<16xf32>
        %max3A_397 = arith.maximumf %get3A_394, %max3A_396 : vector<16xf32>
        %swap3A_398 = arith.constant 0 : i32
        %swap3A_399 = arith.constant 0 : i32
        %swap3A_400 = tpu.memref_slice %arg6[%scan3A_293, %swap3A_398, %swap3A_399] : memref<5x128x128xf32, #tpu.memory_space<vmem>> -> memref<1x128x128xf32, #tpu.memory_space<vmem>>
        %swap3A_401 = tpu.memref_squeeze %swap3A_400 : memref<1x128x128xf32, #tpu.memory_space<vmem>> -> memref<128x128xf32, #tpu.memory_space<vmem>>
        %swap3A_402 = arith.index_cast %scan3A_369 : i32 to index
        %swap3A_403 = arith.constant 16 : index
        %swap3A_404 = tpu.vector_load %swap3A_401[%swap3A_402, %swap3A_403] {strides = array<i32>} : memref<128x128xf32, #tpu.memory_space<vmem>>, vector<1x16xf32>,
        %swap3A_405 = vector.shape_cast %swap3A_404 : vector<1x16xf32> to vector<16xf32>
        %swap3A_406 = vector.shape_cast %max3A_397 : vector<16xf32> to vector<1x16xf32>
        tpu.vector_store %swap3A_401[%swap3A_402, %swap3A_403], %swap3A_406 {strides = array<i32>} : memref<128x128xf32, #tpu.memory_space<vmem>>, vector<1x16xf32>,
        %get3A_407 = arith.constant 0 : i32
        %get3A_408 = arith.constant 0 : i32
        %get3A_409 = tpu.memref_slice %arg6[%scan3A_293, %get3A_407, %get3A_408] : memref<5x128x128xf32, #tpu.memory_space<vmem>> -> memref<1x128x128xf32, #tpu.memory_space<vmem>>
        %get3A_410 = tpu.memref_squeeze %get3A_409 : memref<1x128x128xf32, #tpu.memory_space<vmem>> -> memref<128x128xf32, #tpu.memory_space<vmem>>
        %get3A_411 = arith.index_cast %scan3A_369 : i32 to index
        %get3A_412 = arith.constant 32 : index
        %get3A_413 = tpu.vector_load %get3A_410[%get3A_411, %get3A_412] {strides = array<i32>} : memref<128x128xf32, #tpu.memory_space<vmem>>, vector<1x16xf32>,
        %get3A_414 = vector.shape_cast %get3A_413 : vector<1x16xf32> to vector<16xf32>
        %max3A_415 = arith.constant 0.000000e+00 : f32
        %max3A_416 = vector.broadcast %max3A_415 : f32 to vector<16xf32>
        %max3A_417 = arith.maximumf %get3A_414, %max3A_416 : vector<16xf32>
        %swap3A_418 = arith.constant 0 : i32
        %swap3A_419 = arith.constant 0 : i32
        %swap3A_420 = tpu.memref_slice %arg6[%scan3A_293, %swap3A_418, %swap3A_419] : memref<5x128x128xf32, #tpu.memory_space<vmem>> -> memref<1x128x128xf32, #tpu.memory_space<vmem>>
        %swap3A_421 = tpu.memref_squeeze %swap3A_420 : memref<1x128x128xf32, #tpu.memory_space<vmem>> -> memref<128x128xf32, #tpu.memory_space<vmem>>
        %swap3A_422 = arith.index_cast %scan3A_369 : i32 to index
        %swap3A_423 = arith.constant 32 : index
        %swap3A_424 = tpu.vector_load %swap3A_421[%swap3A_422, %swap3A_423] {strides = array<i32>} : memref<128x128xf32, #tpu.memory_space<vmem>>, vector<1x16xf32>,
        %swap3A_425 = vector.shape_cast %swap3A_424 : vector<1x16xf32> to vector<16xf32>
        %swap3A_426 = vector.shape_cast %max3A_417 : vector<16xf32> to vector<1x16xf32>
        tpu.vector_store %swap3A_421[%swap3A_422, %swap3A_423], %swap3A_426 {strides = array<i32>} : memref<128x128xf32, #tpu.memory_space<vmem>>, vector<1x16xf32>,
        %get3A_427 = arith.constant 0 : i32
        %get3A_428 = arith.constant 0 : i32
        %get3A_429 = tpu.memref_slice %arg6[%scan3A_293, %get3A_427, %get3A_428] : memref<5x128x128xf32, #tpu.memory_space<vmem>> -> memref<1x128x128xf32, #tpu.memory_space<vmem>>
        %get3A_430 = tpu.memref_squeeze %get3A_429 : memref<1x128x128xf32, #tpu.memory_space<vmem>> -> memref<128x128xf32, #tpu.memory_space<vmem>>
        %get3A_431 = arith.index_cast %scan3A_369 : i32 to index
        %get3A_432 = arith.constant 48 : index
        %get3A_433 = tpu.vector_load %get3A_430[%get3A_431, %get3A_432] {strides = array<i32>} : memref<128x128xf32, #tpu.memory_space<vmem>>, vector<1x16xf32>,
        %get3A_434 = vector.shape_cast %get3A_433 : vector<1x16xf32> to vector<16xf32>
        %max3A_435 = arith.constant 0.000000e+00 : f32
        %max3A_436 = vector.broadcast %max3A_435 : f32 to vector<16xf32>
        %max3A_437 = arith.maximumf %get3A_434, %max3A_436 : vector<16xf32>
        %swap3A_438 = arith.constant 0 : i32
        %swap3A_439 = arith.constant 0 : i32
        %swap3A_440 = tpu.memref_slice %arg6[%scan3A_293, %swap3A_438, %swap3A_439] : memref<5x128x128xf32, #tpu.memory_space<vmem>> -> memref<1x128x128xf32, #tpu.memory_space<vmem>>
        %swap3A_441 = tpu.memref_squeeze %swap3A_440 : memref<1x128x128xf32, #tpu.memory_space<vmem>> -> memref<128x128xf32, #tpu.memory_space<vmem>>
        %swap3A_442 = arith.index_cast %scan3A_369 : i32 to index
        %swap3A_443 = arith.constant 48 : index
        %swap3A_444 = tpu.vector_load %swap3A_441[%swap3A_442, %swap3A_443] {strides = array<i32>} : memref<128x128xf32, #tpu.memory_space<vmem>>, vector<1x16xf32>,
        %swap3A_445 = vector.shape_cast %swap3A_444 : vector<1x16xf32> to vector<16xf32>
        %swap3A_446 = vector.shape_cast %max3A_437 : vector<16xf32> to vector<1x16xf32>
        tpu.vector_store %swap3A_441[%swap3A_442, %swap3A_443], %swap3A_446 {strides = array<i32>} : memref<128x128xf32, #tpu.memory_space<vmem>>, vector<1x16xf32>,
        %get3A_447 = arith.constant 0 : i32
        %get3A_448 = arith.constant 0 : i32
        %get3A_449 = tpu.memref_slice %arg6[%scan3A_293, %get3A_447, %get3A_448] : memref<5x128x128xf32, #tpu.memory_space<vmem>> -> memref<1x128x128xf32, #tpu.memory_space<vmem>>
        %get3A_450 = tpu.memref_squeeze %get3A_449 : memref<1x128x128xf32, #tpu.memory_space<vmem>> -> memref<128x128xf32, #tpu.memory_space<vmem>>
        %get3A_451 = arith.index_cast %scan3A_369 : i32 to index
        %get3A_452 = arith.constant 64 : index
        %get3A_453 = tpu.vector_load %get3A_450[%get3A_451, %get3A_452] {strides = array<i32>} : memref<128x128xf32, #tpu.memory_space<vmem>>, vector<1x16xf32>,
        %get3A_454 = vector.shape_cast %get3A_453 : vector<1x16xf32> to vector<16xf32>
        %max3A_455 = arith.constant 0.000000e+00 : f32
        %max3A_456 = vector.broadcast %max3A_455 : f32 to vector<16xf32>
        %max3A_457 = arith.maximumf %get3A_454, %max3A_456 : vector<16xf32>
        %swap3A_458 = arith.constant 0 : i32
        %swap3A_459 = arith.constant 0 : i32
        %swap3A_460 = tpu.memref_slice %arg6[%scan3A_293, %swap3A_458, %swap3A_459] : memref<5x128x128xf32, #tpu.memory_space<vmem>> -> memref<1x128x128xf32, #tpu.memory_space<vmem>>
        %swap3A_461 = tpu.memref_squeeze %swap3A_460 : memref<1x128x128xf32, #tpu.memory_space<vmem>> -> memref<128x128xf32, #tpu.memory_space<vmem>>
        %swap3A_462 = arith.index_cast %scan3A_369 : i32 to index
        %swap3A_463 = arith.constant 64 : index
        %swap3A_464 = tpu.vector_load %swap3A_461[%swap3A_462, %swap3A_463] {strides = array<i32>} : memref<128x128xf32, #tpu.memory_space<vmem>>, vector<1x16xf32>,
        %swap3A_465 = vector.shape_cast %swap3A_464 : vector<1x16xf32> to vector<16xf32>
        %swap3A_466 = vector.shape_cast %max3A_457 : vector<16xf32> to vector<1x16xf32>
        tpu.vector_store %swap3A_461[%swap3A_462, %swap3A_463], %swap3A_466 {strides = array<i32>} : memref<128x128xf32, #tpu.memory_space<vmem>>, vector<1x16xf32>,
        %get3A_467 = arith.constant 0 : i32
        %get3A_468 = arith.constant 0 : i32
        %get3A_469 = tpu.memref_slice %arg6[%scan3A_293, %get3A_467, %get3A_468] : memref<5x128x128xf32, #tpu.memory_space<vmem>> -> memref<1x128x128xf32, #tpu.memory_space<vmem>>
        %get3A_470 = tpu.memref_squeeze %get3A_469 : memref<1x128x128xf32, #tpu.memory_space<vmem>> -> memref<128x128xf32, #tpu.memory_space<vmem>>
        %get3A_471 = arith.index_cast %scan3A_369 : i32 to index
        %get3A_472 = arith.constant 80 : index
        %get3A_473 = tpu.vector_load %get3A_470[%get3A_471, %get3A_472] {strides = array<i32>} : memref<128x128xf32, #tpu.memory_space<vmem>>, vector<1x16xf32>,
        %get3A_474 = vector.shape_cast %get3A_473 : vector<1x16xf32> to vector<16xf32>
        %max3A_475 = arith.constant 0.000000e+00 : f32
        %max3A_476 = vector.broadcast %max3A_475 : f32 to vector<16xf32>
        %max3A_477 = arith.maximumf %get3A_474, %max3A_476 : vector<16xf32>
        %swap3A_478 = arith.constant 0 : i32
        %swap3A_479 = arith.constant 0 : i32
        %swap3A_480 = tpu.memref_slice %arg6[%scan3A_293, %swap3A_478, %swap3A_479] : memref<5x128x128xf32, #tpu.memory_space<vmem>> -> memref<1x128x128xf32, #tpu.memory_space<vmem>>
        %swap3A_481 = tpu.memref_squeeze %swap3A_480 : memref<1x128x128xf32, #tpu.memory_space<vmem>> -> memref<128x128xf32, #tpu.memory_space<vmem>>
        %swap3A_482 = arith.index_cast %scan3A_369 : i32 to index
        %swap3A_483 = arith.constant 80 : index
        %swap3A_484 = tpu.vector_load %swap3A_481[%swap3A_482, %swap3A_483] {strides = array<i32>} : memref<128x128xf32, #tpu.memory_space<vmem>>, vector<1x16xf32>,
        %swap3A_485 = vector.shape_cast %swap3A_484 : vector<1x16xf32> to vector<16xf32>
        %swap3A_486 = vector.shape_cast %max3A_477 : vector<16xf32> to vector<1x16xf32>
        tpu.vector_store %swap3A_481[%swap3A_482, %swap3A_483], %swap3A_486 {strides = array<i32>} : memref<128x128xf32, #tpu.memory_space<vmem>>, vector<1x16xf32>,
        %get3A_487 = arith.constant 0 : i32
        %get3A_488 = arith.constant 0 : i32
        %get3A_489 = tpu.memref_slice %arg6[%scan3A_293, %get3A_487, %get3A_488] : memref<5x128x128xf32, #tpu.memory_space<vmem>> -> memref<1x128x128xf32, #tpu.memory_space<vmem>>
        %get3A_490 = tpu.memref_squeeze %get3A_489 : memref<1x128x128xf32, #tpu.memory_space<vmem>> -> memref<128x128xf32, #tpu.memory_space<vmem>>
        %get3A_491 = arith.index_cast %scan3A_369 : i32 to index
        %get3A_492 = arith.constant 96 : index
        %get3A_493 = tpu.vector_load %get3A_490[%get3A_491, %get3A_492] {strides = array<i32>} : memref<128x128xf32, #tpu.memory_space<vmem>>, vector<1x16xf32>,
        %get3A_494 = vector.shape_cast %get3A_493 : vector<1x16xf32> to vector<16xf32>
        %max3A_495 = arith.constant 0.000000e+00 : f32
        %max3A_496 = vector.broadcast %max3A_495 : f32 to vector<16xf32>
        %max3A_497 = arith.maximumf %get3A_494, %max3A_496 : vector<16xf32>
        %swap3A_498 = arith.constant 0 : i32
        %swap3A_499 = arith.constant 0 : i32
        %swap3A_500 = tpu.memref_slice %arg6[%scan3A_293, %swap3A_498, %swap3A_499] : memref<5x128x128xf32, #tpu.memory_space<vmem>> -> memref<1x128x128xf32, #tpu.memory_space<vmem>>
        %swap3A_501 = tpu.memref_squeeze %swap3A_500 : memref<1x128x128xf32, #tpu.memory_space<vmem>> -> memref<128x128xf32, #tpu.memory_space<vmem>>
        %swap3A_502 = arith.index_cast %scan3A_369 : i32 to index
        %swap3A_503 = arith.constant 96 : index
        %swap3A_504 = tpu.vector_load %swap3A_501[%swap3A_502, %swap3A_503] {strides = array<i32>} : memref<128x128xf32, #tpu.memory_space<vmem>>, vector<1x16xf32>,
        %swap3A_505 = vector.shape_cast %swap3A_504 : vector<1x16xf32> to vector<16xf32>
        %swap3A_506 = vector.shape_cast %max3A_497 : vector<16xf32> to vector<1x16xf32>
        tpu.vector_store %swap3A_501[%swap3A_502, %swap3A_503], %swap3A_506 {strides = array<i32>} : memref<128x128xf32, #tpu.memory_space<vmem>>, vector<1x16xf32>,
        %get3A_507 = arith.constant 0 : i32
        %get3A_508 = arith.constant 0 : i32
        %get3A_509 = tpu.memref_slice %arg6[%scan3A_293, %get3A_507, %get3A_508] : memref<5x128x128xf32, #tpu.memory_space<vmem>> -> memref<1x128x128xf32, #tpu.memory_space<vmem>>
        %get3A_510 = tpu.memref_squeeze %get3A_509 : memref<1x128x128xf32, #tpu.memory_space<vmem>> -> memref<128x128xf32, #tpu.memory_space<vmem>>
        %get3A_511 = arith.index_cast %scan3A_369 : i32 to index
        %get3A_512 = arith.constant 112 : index
        %get3A_513 = tpu.vector_load %get3A_510[%get3A_511, %get3A_512] {strides = array<i32>} : memref<128x128xf32, #tpu.memory_space<vmem>>, vector<1x16xf32>,
        %get3A_514 = vector.shape_cast %get3A_513 : vector<1x16xf32> to vector<16xf32>
        %max3A_515 = arith.constant 0.000000e+00 : f32
        %max3A_516 = vector.broadcast %max3A_515 : f32 to vector<16xf32>
        %max3A_517 = arith.maximumf %get3A_514, %max3A_516 : vector<16xf32>
        %swap3A_518 = arith.constant 0 : i32
        %swap3A_519 = arith.constant 0 : i32
        %swap3A_520 = tpu.memref_slice %arg6[%scan3A_293, %swap3A_518, %swap3A_519] : memref<5x128x128xf32, #tpu.memory_space<vmem>> -> memref<1x128x128xf32, #tpu.memory_space<vmem>>
        %swap3A_521 = tpu.memref_squeeze %swap3A_520 : memref<1x128x128xf32, #tpu.memory_space<vmem>> -> memref<128x128xf32, #tpu.memory_space<vmem>>
        %swap3A_522 = arith.index_cast %scan3A_369 : i32 to index
        %swap3A_523 = arith.constant 112 : index
        %swap3A_524 = tpu.vector_load %swap3A_521[%swap3A_522, %swap3A_523] {strides = array<i32>} : memref<128x128xf32, #tpu.memory_space<vmem>>, vector<1x16xf32>,
        %swap3A_525 = vector.shape_cast %swap3A_524 : vector<1x16xf32> to vector<16xf32>
        %swap3A_526 = vector.shape_cast %max3A_517 : vector<16xf32> to vector<1x16xf32>
        tpu.vector_store %swap3A_521[%swap3A_522, %swap3A_523], %swap3A_526 {strides = array<i32>} : memref<128x128xf32, #tpu.memory_space<vmem>>, vector<1x16xf32>,
      }
      %scan3A_298 = arith.constant 128 : i32
      %mul3A_299 = arith.constant 128 : i32
      %mul3A_300 = arith.muli %add3A_280, %mul3A_299 : i32
      %add3A_301 = arith.addi %mul3A_2, %mul3A_300 : i32
      %dma_start3A_302 = arith.constant 3 : i32
      %dma_start3A_303 = arith.constant 0 : i32
      %dma_start3A_304 = arith.constant 0 : i32
      %dma_start3A_305 = tpu.memref_slice %arg6[%dma_start3A_302, %dma_start3A_303, %dma_start3A_304] : memref<5x128x128xf32, #tpu.memory_space<vmem>> -> memref<1x128x128xf32, #tpu.memory_space<vmem>>
      %dma_start3A_306 = tpu.memref_squeeze %dma_start3A_305 : memref<1x128x128xf32, #tpu.memory_space<vmem>> -> memref<128x128xf32, #tpu.memory_space<vmem>>
      %dma_start3A_307 = arith.constant 0 : i32
      %dma_start3A_308 = tpu.memref_slice %arg4[%add3A_301, %dma_start3A_307] : memref<204800x128xf32, #tpu.memory_space<hbm>> -> memref<128x128xf32, #tpu.memory_space<hbm>>
      %dma_start3A_309 = arith.constant 0 : i32
      %dma_start3A_310 = tpu.memref_slice %arg4[%add3A_301, %dma_start3A_309] : memref<204800x128xf32, #tpu.memory_space<hbm>> -> memref<128x128xf32, #tpu.memory_space<hbm>>
      %dma_start3A_311 = arith.constant 0 : i32
      %dma_start3A_312 = arith.constant 0 : i32
      %dma_start3A_313 = tpu.memref_slice %arg6[%dma_start3A_302, %dma_start3A_311, %dma_start3A_312] : memref<5x128x128xf32, #tpu.memory_space<vmem>> -> memref<1x128x128xf32, #tpu.memory_space<vmem>>
      %dma_start3A_314 = tpu.memref_squeeze %dma_start3A_313 : memref<1x128x128xf32, #tpu.memory_space<vmem>> -> memref<128x128xf32, #tpu.memory_space<vmem>>
      tpu.enqueue_dma source(%dma_start3A_314 : memref<128x128xf32, #tpu.memory_space<vmem>>) target(%dma_start3A_310 : memref<128x128xf32, #tpu.memory_space<hbm>>) target_semaphore(%arg15 : memref<!tpu.dma_semaphore, #tpu.memory_space<semaphore_mem>>)
      %add3A_315 = arith.constant 5 : i32
      %add3A_316 = arith.addi %add3A_280, %add3A_315 : i32
      %lt3A_317 = arith.constant 50 : i32
      %lt3A_318 = arith.cmpi slt, %add3A_316, %lt3A_317 : i32
      %convert_element_type3A_319 = arith.extui %lt3A_318 : i1 to i32
      %cond3A_320 = arith.constant 3 : i32
      %cond3A_321 = arith.constant 0 : i32
      %cond3A_322 = arith.cmpi ne, %convert_element_type3A_319, %cond3A_321 : i32
      scf.if %cond3A_322 {
        %mul3A_369 = arith.constant 128 : i32
        %mul3A_370 = arith.muli %add3A_280, %mul3A_369 : i32
        %add3A_371 = arith.addi %mul3A_2, %mul3A_370 : i32
        %dma_wait3A_372 = arith.constant 0 : i32
        %dma_wait3A_373 = arith.constant 0 : i32
        %dma_wait3A_374 = tpu.memref_slice %arg6[%cond3A_320, %dma_wait3A_372, %dma_wait3A_373] : memref<5x128x128xf32, #tpu.memory_space<vmem>> -> memref<1x128x128xf32, #tpu.memory_space<vmem>>
        %dma_wait3A_375 = tpu.memref_squeeze %dma_wait3A_374 : memref<1x128x128xf32, #tpu.memory_space<vmem>> -> memref<128x128xf32, #tpu.memory_space<vmem>>
        %dma_wait3A_376 = arith.constant 0 : i32
        %dma_wait3A_377 = tpu.memref_slice %arg4[%add3A_371, %dma_wait3A_376] : memref<204800x128xf32, #tpu.memory_space<hbm>> -> memref<128x128xf32, #tpu.memory_space<hbm>>
        %dma_wait3A_378 = arith.constant 0 : i32
        %dma_wait3A_379 = tpu.memref_slice %arg4[%add3A_371, %dma_wait3A_378] : memref<204800x128xf32, #tpu.memory_space<hbm>> -> memref<128x128xf32, #tpu.memory_space<hbm>>
        %dma_wait3A_380 = arith.constant 0 : i32
        %dma_wait3A_381 = arith.constant 0 : i32
        %dma_wait3A_382 = tpu.memref_slice %arg6[%cond3A_320, %dma_wait3A_380, %dma_wait3A_381] : memref<5x128x128xf32, #tpu.memory_space<vmem>> -> memref<1x128x128xf32, #tpu.memory_space<vmem>>
        %dma_wait3A_383 = tpu.memref_squeeze %dma_wait3A_382 : memref<1x128x128xf32, #tpu.memory_space<vmem>> -> memref<128x128xf32, #tpu.memory_space<vmem>>
        tpu.wait_dma2 semaphore(%arg15 : memref<!tpu.dma_semaphore, #tpu.memory_space<semaphore_mem>>) src(%dma_wait3A_383 : memref<128x128xf32, #tpu.memory_space<vmem>>) dst(%dma_wait3A_379 : memref<128x128xf32, #tpu.memory_space<hbm>>)
        %add3A_384 = arith.constant 5 : i32
        %add3A_385 = arith.addi %add3A_280, %add3A_384 : i32
        %dma_start3A_386 = arith.constant 3 : i32
        %dma_start3A_387 = arith.constant 0 : i32
        %dma_start3A_388 = arith.constant 0 : i32
        %dma_start3A_389 = tpu.memref_slice %arg6[%dma_start3A_386, %dma_start3A_387, %dma_start3A_388] : memref<5x128x128xf32, #tpu.memory_space<vmem>> -> memref<1x128x128xf32, #tpu.memory_space<vmem>>
        %dma_start3A_390 = tpu.memref_squeeze %dma_start3A_389 : memref<1x128x128xf32, #tpu.memory_space<vmem>> -> memref<128x128xf32, #tpu.memory_space<vmem>>
        %dma_start3A_391 = arith.constant 0 : i32
        %dma_start3A_392 = tpu.memref_slice %arg5[%add3A_385, %dma_start3A_391] : memref<50x128xi32, #tpu.memory_space<vmem>> -> memref<1x128xi32, #tpu.memory_space<vmem>>
        %dma_start3A_393 = tpu.memref_squeeze %dma_start3A_392 : memref<1x128xi32, #tpu.memory_space<vmem>> -> memref<128xi32, #tpu.memory_space<vmem>>
        %dma_start3A_394 = arith.constant 0 : i32
        %dma_start3A_395 = arith.constant 0 : i32
        %dma_start3A_396 = tpu.memref_slice %arg3[%dma_start3A_394, %dma_start3A_395] : memref<100000x128xf32, #tpu.memory_space<hbm>> -> memref<100000x128xf32, #tpu.memory_space<hbm>>
        tpu.enqueue_indirect_dma source(%dma_start3A_396 : memref<100000x128xf32, #tpu.memory_space<hbm>>) target(%dma_start3A_390 : memref<128x128xf32, #tpu.memory_space<vmem>>) offsets(%dma_start3A_393 : memref<128xi32, #tpu.memory_space<vmem>>) semaphore(%arg10 : memref<!tpu.dma_semaphore, #tpu.memory_space<semaphore_mem>>)
      } else {
      }
      %mul3A_323 = arith.constant 5 : i32
      %mul3A_324 = arith.muli %scan3A_141, %mul3A_323 : i32
      %add3A_325 = arith.constant 4 : i32
      %add3A_326 = arith.addi %mul3A_324, %add3A_325 : i32
      %dma_wait3A_327 = arith.constant 4 : i32
      %dma_wait3A_328 = arith.constant 0 : i32
      %dma_wait3A_329 = arith.constant 0 : i32
      %dma_wait3A_330 = tpu.memref_slice %arg6[%dma_wait3A_327, %dma_wait3A_328, %dma_wait3A_329] : memref<5x128x128xf32, #tpu.memory_space<vmem>> -> memref<1x128x128xf32, #tpu.memory_space<vmem>>
      %dma_wait3A_331 = tpu.memref_squeeze %dma_wait3A_330 : memref<1x128x128xf32, #tpu.memory_space<vmem>> -> memref<128x128xf32, #tpu.memory_space<vmem>>
      %dma_wait3A_332 = arith.constant 0 : i32
      %dma_wait3A_333 = tpu.memref_slice %arg5[%add3A_326, %dma_wait3A_332] : memref<50x128xi32, #tpu.memory_space<vmem>> -> memref<1x128xi32, #tpu.memory_space<vmem>>
      %dma_wait3A_334 = tpu.memref_squeeze %dma_wait3A_333 : memref<1x128xi32, #tpu.memory_space<vmem>> -> memref<128xi32, #tpu.memory_space<vmem>>
      %dma_wait3A_335 = arith.constant 0 : i32
      %dma_wait3A_336 = arith.constant 0 : i32
      %dma_wait3A_337 = tpu.memref_slice %arg3[%dma_wait3A_335, %dma_wait3A_336] : memref<100000x128xf32, #tpu.memory_space<hbm>> -> memref<100000x128xf32, #tpu.memory_space<hbm>>
      tpu.wait_indirect_dma semaphore(%arg11 : memref<!tpu.dma_semaphore, #tpu.memory_space<semaphore_mem>>) src(%dma_wait3A_337 : memref<100000x128xf32, #tpu.memory_space<hbm>>) dst(%dma_wait3A_331 : memref<128x128xf32, #tpu.memory_space<vmem>>)
      %scan3A_338 = arith.constant 0 : i32
      %scan3A_339 = arith.constant 4 : i32
      %scan3A_340 = arith.constant 0 : i32
      %scan3A_341 = arith.constant 128 : i32
      %scan3A_342 = arith.addi %scan3A_340, %scan3A_341 : i32
      %scan3A_343 = arith.constant 1 : i32
      scf.for %scan3A_369 = %scan3A_340 to %scan3A_342 step %scan3A_343  : i32 {
        %get3A = arith.constant 0 : i32
        %get3A_370 = arith.constant 0 : i32
        %get3A_371 = tpu.memref_slice %arg6[%scan3A_339, %get3A, %get3A_370] : memref<5x128x128xf32, #tpu.memory_space<vmem>> -> memref<1x128x128xf32, #tpu.memory_space<vmem>>
        %get3A_372 = tpu.memref_squeeze %get3A_371 : memref<1x128x128xf32, #tpu.memory_space<vmem>> -> memref<128x128xf32, #tpu.memory_space<vmem>>
        %get3A_373 = arith.index_cast %scan3A_369 : i32 to index
        %get3A_374 = arith.constant 0 : index
        %get3A_375 = tpu.vector_load %get3A_372[%get3A_373, %get3A_374] {strides = array<i32>} : memref<128x128xf32, #tpu.memory_space<vmem>>, vector<1x16xf32>,
        %get3A_376 = vector.shape_cast %get3A_375 : vector<1x16xf32> to vector<16xf32>
        %max3A = arith.constant 0.000000e+00 : f32
        %max3A_377 = vector.broadcast %max3A : f32 to vector<16xf32>
        %max3A_378 = arith.maximumf %get3A_376, %max3A_377 : vector<16xf32>
        %swap3A = arith.constant 0 : i32
        %swap3A_379 = arith.constant 0 : i32
        %swap3A_380 = tpu.memref_slice %arg6[%scan3A_339, %swap3A, %swap3A_379] : memref<5x128x128xf32, #tpu.memory_space<vmem>> -> memref<1x128x128xf32, #tpu.memory_space<vmem>>
        %swap3A_381 = tpu.memref_squeeze %swap3A_380 : memref<1x128x128xf32, #tpu.memory_space<vmem>> -> memref<128x128xf32, #tpu.memory_space<vmem>>
        %swap3A_382 = arith.index_cast %scan3A_369 : i32 to index
        %swap3A_383 = arith.constant 0 : index
        %swap3A_384 = tpu.vector_load %swap3A_381[%swap3A_382, %swap3A_383] {strides = array<i32>} : memref<128x128xf32, #tpu.memory_space<vmem>>, vector<1x16xf32>,
        %swap3A_385 = vector.shape_cast %swap3A_384 : vector<1x16xf32> to vector<16xf32>
        %swap3A_386 = vector.shape_cast %max3A_378 : vector<16xf32> to vector<1x16xf32>
        tpu.vector_store %swap3A_381[%swap3A_382, %swap3A_383], %swap3A_386 {strides = array<i32>} : memref<128x128xf32, #tpu.memory_space<vmem>>, vector<1x16xf32>,
        %get3A_387 = arith.constant 0 : i32
        %get3A_388 = arith.constant 0 : i32
        %get3A_389 = tpu.memref_slice %arg6[%scan3A_339, %get3A_387, %get3A_388] : memref<5x128x128xf32, #tpu.memory_space<vmem>> -> memref<1x128x128xf32, #tpu.memory_space<vmem>>
        %get3A_390 = tpu.memref_squeeze %get3A_389 : memref<1x128x128xf32, #tpu.memory_space<vmem>> -> memref<128x128xf32, #tpu.memory_space<vmem>>
        %get3A_391 = arith.index_cast %scan3A_369 : i32 to index
        %get3A_392 = arith.constant 16 : index
        %get3A_393 = tpu.vector_load %get3A_390[%get3A_391, %get3A_392] {strides = array<i32>} : memref<128x128xf32, #tpu.memory_space<vmem>>, vector<1x16xf32>,
        %get3A_394 = vector.shape_cast %get3A_393 : vector<1x16xf32> to vector<16xf32>
        %max3A_395 = arith.constant 0.000000e+00 : f32
        %max3A_396 = vector.broadcast %max3A_395 : f32 to vector<16xf32>
        %max3A_397 = arith.maximumf %get3A_394, %max3A_396 : vector<16xf32>
        %swap3A_398 = arith.constant 0 : i32
        %swap3A_399 = arith.constant 0 : i32
        %swap3A_400 = tpu.memref_slice %arg6[%scan3A_339, %swap3A_398, %swap3A_399] : memref<5x128x128xf32, #tpu.memory_space<vmem>> -> memref<1x128x128xf32, #tpu.memory_space<vmem>>
        %swap3A_401 = tpu.memref_squeeze %swap3A_400 : memref<1x128x128xf32, #tpu.memory_space<vmem>> -> memref<128x128xf32, #tpu.memory_space<vmem>>
        %swap3A_402 = arith.index_cast %scan3A_369 : i32 to index
        %swap3A_403 = arith.constant 16 : index
        %swap3A_404 = tpu.vector_load %swap3A_401[%swap3A_402, %swap3A_403] {strides = array<i32>} : memref<128x128xf32, #tpu.memory_space<vmem>>, vector<1x16xf32>,
        %swap3A_405 = vector.shape_cast %swap3A_404 : vector<1x16xf32> to vector<16xf32>
        %swap3A_406 = vector.shape_cast %max3A_397 : vector<16xf32> to vector<1x16xf32>
        tpu.vector_store %swap3A_401[%swap3A_402, %swap3A_403], %swap3A_406 {strides = array<i32>} : memref<128x128xf32, #tpu.memory_space<vmem>>, vector<1x16xf32>,
        %get3A_407 = arith.constant 0 : i32
        %get3A_408 = arith.constant 0 : i32
        %get3A_409 = tpu.memref_slice %arg6[%scan3A_339, %get3A_407, %get3A_408] : memref<5x128x128xf32, #tpu.memory_space<vmem>> -> memref<1x128x128xf32, #tpu.memory_space<vmem>>
        %get3A_410 = tpu.memref_squeeze %get3A_409 : memref<1x128x128xf32, #tpu.memory_space<vmem>> -> memref<128x128xf32, #tpu.memory_space<vmem>>
        %get3A_411 = arith.index_cast %scan3A_369 : i32 to index
        %get3A_412 = arith.constant 32 : index
        %get3A_413 = tpu.vector_load %get3A_410[%get3A_411, %get3A_412] {strides = array<i32>} : memref<128x128xf32, #tpu.memory_space<vmem>>, vector<1x16xf32>,
        %get3A_414 = vector.shape_cast %get3A_413 : vector<1x16xf32> to vector<16xf32>
        %max3A_415 = arith.constant 0.000000e+00 : f32
        %max3A_416 = vector.broadcast %max3A_415 : f32 to vector<16xf32>
        %max3A_417 = arith.maximumf %get3A_414, %max3A_416 : vector<16xf32>
        %swap3A_418 = arith.constant 0 : i32
        %swap3A_419 = arith.constant 0 : i32
        %swap3A_420 = tpu.memref_slice %arg6[%scan3A_339, %swap3A_418, %swap3A_419] : memref<5x128x128xf32, #tpu.memory_space<vmem>> -> memref<1x128x128xf32, #tpu.memory_space<vmem>>
        %swap3A_421 = tpu.memref_squeeze %swap3A_420 : memref<1x128x128xf32, #tpu.memory_space<vmem>> -> memref<128x128xf32, #tpu.memory_space<vmem>>
        %swap3A_422 = arith.index_cast %scan3A_369 : i32 to index
        %swap3A_423 = arith.constant 32 : index
        %swap3A_424 = tpu.vector_load %swap3A_421[%swap3A_422, %swap3A_423] {strides = array<i32>} : memref<128x128xf32, #tpu.memory_space<vmem>>, vector<1x16xf32>,
        %swap3A_425 = vector.shape_cast %swap3A_424 : vector<1x16xf32> to vector<16xf32>
        %swap3A_426 = vector.shape_cast %max3A_417 : vector<16xf32> to vector<1x16xf32>
        tpu.vector_store %swap3A_421[%swap3A_422, %swap3A_423], %swap3A_426 {strides = array<i32>} : memref<128x128xf32, #tpu.memory_space<vmem>>, vector<1x16xf32>,
        %get3A_427 = arith.constant 0 : i32
        %get3A_428 = arith.constant 0 : i32
        %get3A_429 = tpu.memref_slice %arg6[%scan3A_339, %get3A_427, %get3A_428] : memref<5x128x128xf32, #tpu.memory_space<vmem>> -> memref<1x128x128xf32, #tpu.memory_space<vmem>>
        %get3A_430 = tpu.memref_squeeze %get3A_429 : memref<1x128x128xf32, #tpu.memory_space<vmem>> -> memref<128x128xf32, #tpu.memory_space<vmem>>
        %get3A_431 = arith.index_cast %scan3A_369 : i32 to index
        %get3A_432 = arith.constant 48 : index
        %get3A_433 = tpu.vector_load %get3A_430[%get3A_431, %get3A_432] {strides = array<i32>} : memref<128x128xf32, #tpu.memory_space<vmem>>, vector<1x16xf32>,
        %get3A_434 = vector.shape_cast %get3A_433 : vector<1x16xf32> to vector<16xf32>
        %max3A_435 = arith.constant 0.000000e+00 : f32
        %max3A_436 = vector.broadcast %max3A_435 : f32 to vector<16xf32>
        %max3A_437 = arith.maximumf %get3A_434, %max3A_436 : vector<16xf32>
        %swap3A_438 = arith.constant 0 : i32
        %swap3A_439 = arith.constant 0 : i32
        %swap3A_440 = tpu.memref_slice %arg6[%scan3A_339, %swap3A_438, %swap3A_439] : memref<5x128x128xf32, #tpu.memory_space<vmem>> -> memref<1x128x128xf32, #tpu.memory_space<vmem>>
        %swap3A_441 = tpu.memref_squeeze %swap3A_440 : memref<1x128x128xf32, #tpu.memory_space<vmem>> -> memref<128x128xf32, #tpu.memory_space<vmem>>
        %swap3A_442 = arith.index_cast %scan3A_369 : i32 to index
        %swap3A_443 = arith.constant 48 : index
        %swap3A_444 = tpu.vector_load %swap3A_441[%swap3A_442, %swap3A_443] {strides = array<i32>} : memref<128x128xf32, #tpu.memory_space<vmem>>, vector<1x16xf32>,
        %swap3A_445 = vector.shape_cast %swap3A_444 : vector<1x16xf32> to vector<16xf32>
        %swap3A_446 = vector.shape_cast %max3A_437 : vector<16xf32> to vector<1x16xf32>
        tpu.vector_store %swap3A_441[%swap3A_442, %swap3A_443], %swap3A_446 {strides = array<i32>} : memref<128x128xf32, #tpu.memory_space<vmem>>, vector<1x16xf32>,
        %get3A_447 = arith.constant 0 : i32
        %get3A_448 = arith.constant 0 : i32
        %get3A_449 = tpu.memref_slice %arg6[%scan3A_339, %get3A_447, %get3A_448] : memref<5x128x128xf32, #tpu.memory_space<vmem>> -> memref<1x128x128xf32, #tpu.memory_space<vmem>>
        %get3A_450 = tpu.memref_squeeze %get3A_449 : memref<1x128x128xf32, #tpu.memory_space<vmem>> -> memref<128x128xf32, #tpu.memory_space<vmem>>
        %get3A_451 = arith.index_cast %scan3A_369 : i32 to index
        %get3A_452 = arith.constant 64 : index
        %get3A_453 = tpu.vector_load %get3A_450[%get3A_451, %get3A_452] {strides = array<i32>} : memref<128x128xf32, #tpu.memory_space<vmem>>, vector<1x16xf32>,
        %get3A_454 = vector.shape_cast %get3A_453 : vector<1x16xf32> to vector<16xf32>
        %max3A_455 = arith.constant 0.000000e+00 : f32
        %max3A_456 = vector.broadcast %max3A_455 : f32 to vector<16xf32>
        %max3A_457 = arith.maximumf %get3A_454, %max3A_456 : vector<16xf32>
        %swap3A_458 = arith.constant 0 : i32
        %swap3A_459 = arith.constant 0 : i32
        %swap3A_460 = tpu.memref_slice %arg6[%scan3A_339, %swap3A_458, %swap3A_459] : memref<5x128x128xf32, #tpu.memory_space<vmem>> -> memref<1x128x128xf32, #tpu.memory_space<vmem>>
        %swap3A_461 = tpu.memref_squeeze %swap3A_460 : memref<1x128x128xf32, #tpu.memory_space<vmem>> -> memref<128x128xf32, #tpu.memory_space<vmem>>
        %swap3A_462 = arith.index_cast %scan3A_369 : i32 to index
        %swap3A_463 = arith.constant 64 : index
        %swap3A_464 = tpu.vector_load %swap3A_461[%swap3A_462, %swap3A_463] {strides = array<i32>} : memref<128x128xf32, #tpu.memory_space<vmem>>, vector<1x16xf32>,
        %swap3A_465 = vector.shape_cast %swap3A_464 : vector<1x16xf32> to vector<16xf32>
        %swap3A_466 = vector.shape_cast %max3A_457 : vector<16xf32> to vector<1x16xf32>
        tpu.vector_store %swap3A_461[%swap3A_462, %swap3A_463], %swap3A_466 {strides = array<i32>} : memref<128x128xf32, #tpu.memory_space<vmem>>, vector<1x16xf32>,
        %get3A_467 = arith.constant 0 : i32
        %get3A_468 = arith.constant 0 : i32
        %get3A_469 = tpu.memref_slice %arg6[%scan3A_339, %get3A_467, %get3A_468] : memref<5x128x128xf32, #tpu.memory_space<vmem>> -> memref<1x128x128xf32, #tpu.memory_space<vmem>>
        %get3A_470 = tpu.memref_squeeze %get3A_469 : memref<1x128x128xf32, #tpu.memory_space<vmem>> -> memref<128x128xf32, #tpu.memory_space<vmem>>
        %get3A_471 = arith.index_cast %scan3A_369 : i32 to index
        %get3A_472 = arith.constant 80 : index
        %get3A_473 = tpu.vector_load %get3A_470[%get3A_471, %get3A_472] {strides = array<i32>} : memref<128x128xf32, #tpu.memory_space<vmem>>, vector<1x16xf32>,
        %get3A_474 = vector.shape_cast %get3A_473 : vector<1x16xf32> to vector<16xf32>
        %max3A_475 = arith.constant 0.000000e+00 : f32
        %max3A_476 = vector.broadcast %max3A_475 : f32 to vector<16xf32>
        %max3A_477 = arith.maximumf %get3A_474, %max3A_476 : vector<16xf32>
        %swap3A_478 = arith.constant 0 : i32
        %swap3A_479 = arith.constant 0 : i32
        %swap3A_480 = tpu.memref_slice %arg6[%scan3A_339, %swap3A_478, %swap3A_479] : memref<5x128x128xf32, #tpu.memory_space<vmem>> -> memref<1x128x128xf32, #tpu.memory_space<vmem>>
        %swap3A_481 = tpu.memref_squeeze %swap3A_480 : memref<1x128x128xf32, #tpu.memory_space<vmem>> -> memref<128x128xf32, #tpu.memory_space<vmem>>
        %swap3A_482 = arith.index_cast %scan3A_369 : i32 to index
        %swap3A_483 = arith.constant 80 : index
        %swap3A_484 = tpu.vector_load %swap3A_481[%swap3A_482, %swap3A_483] {strides = array<i32>} : memref<128x128xf32, #tpu.memory_space<vmem>>, vector<1x16xf32>,
        %swap3A_485 = vector.shape_cast %swap3A_484 : vector<1x16xf32> to vector<16xf32>
        %swap3A_486 = vector.shape_cast %max3A_477 : vector<16xf32> to vector<1x16xf32>
        tpu.vector_store %swap3A_481[%swap3A_482, %swap3A_483], %swap3A_486 {strides = array<i32>} : memref<128x128xf32, #tpu.memory_space<vmem>>, vector<1x16xf32>,
        %get3A_487 = arith.constant 0 : i32
        %get3A_488 = arith.constant 0 : i32
        %get3A_489 = tpu.memref_slice %arg6[%scan3A_339, %get3A_487, %get3A_488] : memref<5x128x128xf32, #tpu.memory_space<vmem>> -> memref<1x128x128xf32, #tpu.memory_space<vmem>>
        %get3A_490 = tpu.memref_squeeze %get3A_489 : memref<1x128x128xf32, #tpu.memory_space<vmem>> -> memref<128x128xf32, #tpu.memory_space<vmem>>
        %get3A_491 = arith.index_cast %scan3A_369 : i32 to index
        %get3A_492 = arith.constant 96 : index
        %get3A_493 = tpu.vector_load %get3A_490[%get3A_491, %get3A_492] {strides = array<i32>} : memref<128x128xf32, #tpu.memory_space<vmem>>, vector<1x16xf32>,
        %get3A_494 = vector.shape_cast %get3A_493 : vector<1x16xf32> to vector<16xf32>
        %max3A_495 = arith.constant 0.000000e+00 : f32
        %max3A_496 = vector.broadcast %max3A_495 : f32 to vector<16xf32>
        %max3A_497 = arith.maximumf %get3A_494, %max3A_496 : vector<16xf32>
        %swap3A_498 = arith.constant 0 : i32
        %swap3A_499 = arith.constant 0 : i32
        %swap3A_500 = tpu.memref_slice %arg6[%scan3A_339, %swap3A_498, %swap3A_499] : memref<5x128x128xf32, #tpu.memory_space<vmem>> -> memref<1x128x128xf32, #tpu.memory_space<vmem>>
        %swap3A_501 = tpu.memref_squeeze %swap3A_500 : memref<1x128x128xf32, #tpu.memory_space<vmem>> -> memref<128x128xf32, #tpu.memory_space<vmem>>
        %swap3A_502 = arith.index_cast %scan3A_369 : i32 to index
        %swap3A_503 = arith.constant 96 : index
        %swap3A_504 = tpu.vector_load %swap3A_501[%swap3A_502, %swap3A_503] {strides = array<i32>} : memref<128x128xf32, #tpu.memory_space<vmem>>, vector<1x16xf32>,
        %swap3A_505 = vector.shape_cast %swap3A_504 : vector<1x16xf32> to vector<16xf32>
        %swap3A_506 = vector.shape_cast %max3A_497 : vector<16xf32> to vector<1x16xf32>
        tpu.vector_store %swap3A_501[%swap3A_502, %swap3A_503], %swap3A_506 {strides = array<i32>} : memref<128x128xf32, #tpu.memory_space<vmem>>, vector<1x16xf32>,
        %get3A_507 = arith.constant 0 : i32
        %get3A_508 = arith.constant 0 : i32
        %get3A_509 = tpu.memref_slice %arg6[%scan3A_339, %get3A_507, %get3A_508] : memref<5x128x128xf32, #tpu.memory_space<vmem>> -> memref<1x128x128xf32, #tpu.memory_space<vmem>>
        %get3A_510 = tpu.memref_squeeze %get3A_509 : memref<1x128x128xf32, #tpu.memory_space<vmem>> -> memref<128x128xf32, #tpu.memory_space<vmem>>
        %get3A_511 = arith.index_cast %scan3A_369 : i32 to index
        %get3A_512 = arith.constant 112 : index
        %get3A_513 = tpu.vector_load %get3A_510[%get3A_511, %get3A_512] {strides = array<i32>} : memref<128x128xf32, #tpu.memory_space<vmem>>, vector<1x16xf32>,
        %get3A_514 = vector.shape_cast %get3A_513 : vector<1x16xf32> to vector<16xf32>
        %max3A_515 = arith.constant 0.000000e+00 : f32
        %max3A_516 = vector.broadcast %max3A_515 : f32 to vector<16xf32>
        %max3A_517 = arith.maximumf %get3A_514, %max3A_516 : vector<16xf32>
        %swap3A_518 = arith.constant 0 : i32
        %swap3A_519 = arith.constant 0 : i32
        %swap3A_520 = tpu.memref_slice %arg6[%scan3A_339, %swap3A_518, %swap3A_519] : memref<5x128x128xf32, #tpu.memory_space<vmem>> -> memref<1x128x128xf32, #tpu.memory_space<vmem>>
        %swap3A_521 = tpu.memref_squeeze %swap3A_520 : memref<1x128x128xf32, #tpu.memory_space<vmem>> -> memref<128x128xf32, #tpu.memory_space<vmem>>
        %swap3A_522 = arith.index_cast %scan3A_369 : i32 to index
        %swap3A_523 = arith.constant 112 : index
        %swap3A_524 = tpu.vector_load %swap3A_521[%swap3A_522, %swap3A_523] {strides = array<i32>} : memref<128x128xf32, #tpu.memory_space<vmem>>, vector<1x16xf32>,
        %swap3A_525 = vector.shape_cast %swap3A_524 : vector<1x16xf32> to vector<16xf32>
        %swap3A_526 = vector.shape_cast %max3A_517 : vector<16xf32> to vector<1x16xf32>
        tpu.vector_store %swap3A_521[%swap3A_522, %swap3A_523], %swap3A_526 {strides = array<i32>} : memref<128x128xf32, #tpu.memory_space<vmem>>, vector<1x16xf32>,
      }
      %scan3A_344 = arith.constant 128 : i32
      %mul3A_345 = arith.constant 128 : i32
      %mul3A_346 = arith.muli %add3A_326, %mul3A_345 : i32
      %add3A_347 = arith.addi %mul3A_2, %mul3A_346 : i32
      %dma_start3A_348 = arith.constant 4 : i32
      %dma_start3A_349 = arith.constant 0 : i32
      %dma_start3A_350 = arith.constant 0 : i32
      %dma_start3A_351 = tpu.memref_slice %arg6[%dma_start3A_348, %dma_start3A_349, %dma_start3A_350] : memref<5x128x128xf32, #tpu.memory_space<vmem>> -> memref<1x128x128xf32, #tpu.memory_space<vmem>>
      %dma_start3A_352 = tpu.memref_squeeze %dma_start3A_351 : memref<1x128x128xf32, #tpu.memory_space<vmem>> -> memref<128x128xf32, #tpu.memory_space<vmem>>
      %dma_start3A_353 = arith.constant 0 : i32
      %dma_start3A_354 = tpu.memref_slice %arg4[%add3A_347, %dma_start3A_353] : memref<204800x128xf32, #tpu.memory_space<hbm>> -> memref<128x128xf32, #tpu.memory_space<hbm>>
      %dma_start3A_355 = arith.constant 0 : i32
      %dma_start3A_356 = tpu.memref_slice %arg4[%add3A_347, %dma_start3A_355] : memref<204800x128xf32, #tpu.memory_space<hbm>> -> memref<128x128xf32, #tpu.memory_space<hbm>>
      %dma_start3A_357 = arith.constant 0 : i32
      %dma_start3A_358 = arith.constant 0 : i32
      %dma_start3A_359 = tpu.memref_slice %arg6[%dma_start3A_348, %dma_start3A_357, %dma_start3A_358] : memref<5x128x128xf32, #tpu.memory_space<vmem>> -> memref<1x128x128xf32, #tpu.memory_space<vmem>>
      %dma_start3A_360 = tpu.memref_squeeze %dma_start3A_359 : memref<1x128x128xf32, #tpu.memory_space<vmem>> -> memref<128x128xf32, #tpu.memory_space<vmem>>
      tpu.enqueue_dma source(%dma_start3A_360 : memref<128x128xf32, #tpu.memory_space<vmem>>) target(%dma_start3A_356 : memref<128x128xf32, #tpu.memory_space<hbm>>) target_semaphore(%arg16 : memref<!tpu.dma_semaphore, #tpu.memory_space<semaphore_mem>>)
      %add3A_361 = arith.constant 5 : i32
      %add3A_362 = arith.addi %add3A_326, %add3A_361 : i32
      %lt3A_363 = arith.constant 50 : i32
      %lt3A_364 = arith.cmpi slt, %add3A_362, %lt3A_363 : i32
      %convert_element_type3A_365 = arith.extui %lt3A_364 : i1 to i32
      %cond3A_366 = arith.constant 4 : i32
      %cond3A_367 = arith.constant 0 : i32
      %cond3A_368 = arith.cmpi ne, %convert_element_type3A_365, %cond3A_367 : i32
      scf.if %cond3A_368 {
        %mul3A_369 = arith.constant 128 : i32
        %mul3A_370 = arith.muli %add3A_326, %mul3A_369 : i32
        %add3A_371 = arith.addi %mul3A_2, %mul3A_370 : i32
        %dma_wait3A_372 = arith.constant 0 : i32
        %dma_wait3A_373 = arith.constant 0 : i32
        %dma_wait3A_374 = tpu.memref_slice %arg6[%cond3A_366, %dma_wait3A_372, %dma_wait3A_373] : memref<5x128x128xf32, #tpu.memory_space<vmem>> -> memref<1x128x128xf32, #tpu.memory_space<vmem>>
        %dma_wait3A_375 = tpu.memref_squeeze %dma_wait3A_374 : memref<1x128x128xf32, #tpu.memory_space<vmem>> -> memref<128x128xf32, #tpu.memory_space<vmem>>
        %dma_wait3A_376 = arith.constant 0 : i32
        %dma_wait3A_377 = tpu.memref_slice %arg4[%add3A_371, %dma_wait3A_376] : memref<204800x128xf32, #tpu.memory_space<hbm>> -> memref<128x128xf32, #tpu.memory_space<hbm>>
        %dma_wait3A_378 = arith.constant 0 : i32
        %dma_wait3A_379 = tpu.memref_slice %arg4[%add3A_371, %dma_wait3A_378] : memref<204800x128xf32, #tpu.memory_space<hbm>> -> memref<128x128xf32, #tpu.memory_space<hbm>>
        %dma_wait3A_380 = arith.constant 0 : i32
        %dma_wait3A_381 = arith.constant 0 : i32
        %dma_wait3A_382 = tpu.memref_slice %arg6[%cond3A_366, %dma_wait3A_380, %dma_wait3A_381] : memref<5x128x128xf32, #tpu.memory_space<vmem>> -> memref<1x128x128xf32, #tpu.memory_space<vmem>>
        %dma_wait3A_383 = tpu.memref_squeeze %dma_wait3A_382 : memref<1x128x128xf32, #tpu.memory_space<vmem>> -> memref<128x128xf32, #tpu.memory_space<vmem>>
        tpu.wait_dma2 semaphore(%arg16 : memref<!tpu.dma_semaphore, #tpu.memory_space<semaphore_mem>>) src(%dma_wait3A_383 : memref<128x128xf32, #tpu.memory_space<vmem>>) dst(%dma_wait3A_379 : memref<128x128xf32, #tpu.memory_space<hbm>>)
        %add3A_384 = arith.constant 5 : i32
        %add3A_385 = arith.addi %add3A_326, %add3A_384 : i32
        %dma_start3A_386 = arith.constant 4 : i32
        %dma_start3A_387 = arith.constant 0 : i32
        %dma_start3A_388 = arith.constant 0 : i32
        %dma_start3A_389 = tpu.memref_slice %arg6[%dma_start3A_386, %dma_start3A_387, %dma_start3A_388] : memref<5x128x128xf32, #tpu.memory_space<vmem>> -> memref<1x128x128xf32, #tpu.memory_space<vmem>>
        %dma_start3A_390 = tpu.memref_squeeze %dma_start3A_389 : memref<1x128x128xf32, #tpu.memory_space<vmem>> -> memref<128x128xf32, #tpu.memory_space<vmem>>
        %dma_start3A_391 = arith.constant 0 : i32
        %dma_start3A_392 = tpu.memref_slice %arg5[%add3A_385, %dma_start3A_391] : memref<50x128xi32, #tpu.memory_space<vmem>> -> memref<1x128xi32, #tpu.memory_space<vmem>>
        %dma_start3A_393 = tpu.memref_squeeze %dma_start3A_392 : memref<1x128xi32, #tpu.memory_space<vmem>> -> memref<128xi32, #tpu.memory_space<vmem>>
        %dma_start3A_394 = arith.constant 0 : i32
        %dma_start3A_395 = arith.constant 0 : i32
        %dma_start3A_396 = tpu.memref_slice %arg3[%dma_start3A_394, %dma_start3A_395] : memref<100000x128xf32, #tpu.memory_space<hbm>> -> memref<100000x128xf32, #tpu.memory_space<hbm>>
        tpu.enqueue_indirect_dma source(%dma_start3A_396 : memref<100000x128xf32, #tpu.memory_space<hbm>>) target(%dma_start3A_390 : memref<128x128xf32, #tpu.memory_space<vmem>>) offsets(%dma_start3A_393 : memref<128xi32, #tpu.memory_space<vmem>>) semaphore(%arg11 : memref<!tpu.dma_semaphore, #tpu.memory_space<semaphore_mem>>)
      } else {
      }
    }
    %scan3A_66 = arith.constant 10 : i32
    %add3A_67 = arith.constant 5760 : i32
    %add3A_68 = arith.addi %mul3A_2, %add3A_67 : i32
    %dma_wait3A = arith.constant 0 : i32
    %dma_wait3A_69 = arith.constant 0 : i32
    %dma_wait3A_70 = arith.constant 0 : i32
    %dma_wait3A_71 = tpu.memref_slice %arg6[%dma_wait3A, %dma_wait3A_69, %dma_wait3A_70] : memref<5x128x128xf32, #tpu.memory_space<vmem>> -> memref<1x128x128xf32, #tpu.memory_space<vmem>>
    %dma_wait3A_72 = tpu.memref_squeeze %dma_wait3A_71 : memref<1x128x128xf32, #tpu.memory_space<vmem>> -> memref<128x128xf32, #tpu.memory_space<vmem>>
    %dma_wait3A_73 = arith.constant 0 : i32
    %dma_wait3A_74 = tpu.memref_slice %arg4[%add3A_68, %dma_wait3A_73] : memref<204800x128xf32, #tpu.memory_space<hbm>> -> memref<128x128xf32, #tpu.memory_space<hbm>>
    %dma_wait3A_75 = arith.constant 0 : i32
    %dma_wait3A_76 = tpu.memref_slice %arg4[%add3A_68, %dma_wait3A_75] : memref<204800x128xf32, #tpu.memory_space<hbm>> -> memref<128x128xf32, #tpu.memory_space<hbm>>
    %dma_wait3A_77 = arith.constant 0 : i32
    %dma_wait3A_78 = arith.constant 0 : i32
    %dma_wait3A_79 = tpu.memref_slice %arg6[%dma_wait3A, %dma_wait3A_77, %dma_wait3A_78] : memref<5x128x128xf32, #tpu.memory_space<vmem>> -> memref<1x128x128xf32, #tpu.memory_space<vmem>>
    %dma_wait3A_80 = tpu.memref_squeeze %dma_wait3A_79 : memref<1x128x128xf32, #tpu.memory_space<vmem>> -> memref<128x128xf32, #tpu.memory_space<vmem>>
    tpu.wait_dma2 semaphore(%arg12 : memref<!tpu.dma_semaphore, #tpu.memory_space<semaphore_mem>>) src(%dma_wait3A_80 : memref<128x128xf32, #tpu.memory_space<vmem>>) dst(%dma_wait3A_76 : memref<128x128xf32, #tpu.memory_space<hbm>>)
    %add3A_81 = arith.constant 5888 : i32
    %add3A_82 = arith.addi %mul3A_2, %add3A_81 : i32
    %dma_wait3A_83 = arith.constant 1 : i32
    %dma_wait3A_84 = arith.constant 0 : i32
    %dma_wait3A_85 = arith.constant 0 : i32
    %dma_wait3A_86 = tpu.memref_slice %arg6[%dma_wait3A_83, %dma_wait3A_84, %dma_wait3A_85] : memref<5x128x128xf32, #tpu.memory_space<vmem>> -> memref<1x128x128xf32, #tpu.memory_space<vmem>>
    %dma_wait3A_87 = tpu.memref_squeeze %dma_wait3A_86 : memref<1x128x128xf32, #tpu.memory_space<vmem>> -> memref<128x128xf32, #tpu.memory_space<vmem>>
    %dma_wait3A_88 = arith.constant 0 : i32
    %dma_wait3A_89 = tpu.memref_slice %arg4[%add3A_82, %dma_wait3A_88] : memref<204800x128xf32, #tpu.memory_space<hbm>> -> memref<128x128xf32, #tpu.memory_space<hbm>>
    %dma_wait3A_90 = arith.constant 0 : i32
    %dma_wait3A_91 = tpu.memref_slice %arg4[%add3A_82, %dma_wait3A_90] : memref<204800x128xf32, #tpu.memory_space<hbm>> -> memref<128x128xf32, #tpu.memory_space<hbm>>
    %dma_wait3A_92 = arith.constant 0 : i32
    %dma_wait3A_93 = arith.constant 0 : i32
    %dma_wait3A_94 = tpu.memref_slice %arg6[%dma_wait3A_83, %dma_wait3A_92, %dma_wait3A_93] : memref<5x128x128xf32, #tpu.memory_space<vmem>> -> memref<1x128x128xf32, #tpu.memory_space<vmem>>
    %dma_wait3A_95 = tpu.memref_squeeze %dma_wait3A_94 : memref<1x128x128xf32, #tpu.memory_space<vmem>> -> memref<128x128xf32, #tpu.memory_space<vmem>>
    tpu.wait_dma2 semaphore(%arg13 : memref<!tpu.dma_semaphore, #tpu.memory_space<semaphore_mem>>) src(%dma_wait3A_95 : memref<128x128xf32, #tpu.memory_space<vmem>>) dst(%dma_wait3A_91 : memref<128x128xf32, #tpu.memory_space<hbm>>)
    %add3A_96 = arith.constant 6016 : i32
    %add3A_97 = arith.addi %mul3A_2, %add3A_96 : i32
    %dma_wait3A_98 = arith.constant 2 : i32
    %dma_wait3A_99 = arith.constant 0 : i32
    %dma_wait3A_100 = arith.constant 0 : i32
    %dma_wait3A_101 = tpu.memref_slice %arg6[%dma_wait3A_98, %dma_wait3A_99, %dma_wait3A_100] : memref<5x128x128xf32, #tpu.memory_space<vmem>> -> memref<1x128x128xf32, #tpu.memory_space<vmem>>
    %dma_wait3A_102 = tpu.memref_squeeze %dma_wait3A_101 : memref<1x128x128xf32, #tpu.memory_space<vmem>> -> memref<128x128xf32, #tpu.memory_space<vmem>>
    %dma_wait3A_103 = arith.constant 0 : i32
    %dma_wait3A_104 = tpu.memref_slice %arg4[%add3A_97, %dma_wait3A_103] : memref<204800x128xf32, #tpu.memory_space<hbm>> -> memref<128x128xf32, #tpu.memory_space<hbm>>
    %dma_wait3A_105 = arith.constant 0 : i32
    %dma_wait3A_106 = tpu.memref_slice %arg4[%add3A_97, %dma_wait3A_105] : memref<204800x128xf32, #tpu.memory_space<hbm>> -> memref<128x128xf32, #tpu.memory_space<hbm>>
    %dma_wait3A_107 = arith.constant 0 : i32
    %dma_wait3A_108 = arith.constant 0 : i32
    %dma_wait3A_109 = tpu.memref_slice %arg6[%dma_wait3A_98, %dma_wait3A_107, %dma_wait3A_108] : memref<5x128x128xf32, #tpu.memory_space<vmem>> -> memref<1x128x128xf32, #tpu.memory_space<vmem>>
    %dma_wait3A_110 = tpu.memref_squeeze %dma_wait3A_109 : memref<1x128x128xf32, #tpu.memory_space<vmem>> -> memref<128x128xf32, #tpu.memory_space<vmem>>
    tpu.wait_dma2 semaphore(%arg14 : memref<!tpu.dma_semaphore, #tpu.memory_space<semaphore_mem>>) src(%dma_wait3A_110 : memref<128x128xf32, #tpu.memory_space<vmem>>) dst(%dma_wait3A_106 : memref<128x128xf32, #tpu.memory_space<hbm>>)
    %add3A_111 = arith.constant 6144 : i32
    %add3A_112 = arith.addi %mul3A_2, %add3A_111 : i32
    %dma_wait3A_113 = arith.constant 3 : i32
    %dma_wait3A_114 = arith.constant 0 : i32
    %dma_wait3A_115 = arith.constant 0 : i32
    %dma_wait3A_116 = tpu.memref_slice %arg6[%dma_wait3A_113, %dma_wait3A_114, %dma_wait3A_115] : memref<5x128x128xf32, #tpu.memory_space<vmem>> -> memref<1x128x128xf32, #tpu.memory_space<vmem>>
    %dma_wait3A_117 = tpu.memref_squeeze %dma_wait3A_116 : memref<1x128x128xf32, #tpu.memory_space<vmem>> -> memref<128x128xf32, #tpu.memory_space<vmem>>
    %dma_wait3A_118 = arith.constant 0 : i32
    %dma_wait3A_119 = tpu.memref_slice %arg4[%add3A_112, %dma_wait3A_118] : memref<204800x128xf32, #tpu.memory_space<hbm>> -> memref<128x128xf32, #tpu.memory_space<hbm>>
    %dma_wait3A_120 = arith.constant 0 : i32
    %dma_wait3A_121 = tpu.memref_slice %arg4[%add3A_112, %dma_wait3A_120] : memref<204800x128xf32, #tpu.memory_space<hbm>> -> memref<128x128xf32, #tpu.memory_space<hbm>>
    %dma_wait3A_122 = arith.constant 0 : i32
    %dma_wait3A_123 = arith.constant 0 : i32
    %dma_wait3A_124 = tpu.memref_slice %arg6[%dma_wait3A_113, %dma_wait3A_122, %dma_wait3A_123] : memref<5x128x128xf32, #tpu.memory_space<vmem>> -> memref<1x128x128xf32, #tpu.memory_space<vmem>>
    %dma_wait3A_125 = tpu.memref_squeeze %dma_wait3A_124 : memref<1x128x128xf32, #tpu.memory_space<vmem>> -> memref<128x128xf32, #tpu.memory_space<vmem>>
    tpu.wait_dma2 semaphore(%arg15 : memref<!tpu.dma_semaphore, #tpu.memory_space<semaphore_mem>>) src(%dma_wait3A_125 : memref<128x128xf32, #tpu.memory_space<vmem>>) dst(%dma_wait3A_121 : memref<128x128xf32, #tpu.memory_space<hbm>>)
    %add3A_126 = arith.constant 6272 : i32
    %add3A_127 = arith.addi %mul3A_2, %add3A_126 : i32
    %dma_wait3A_128 = arith.constant 4 : i32
    %dma_wait3A_129 = arith.constant 0 : i32
    %dma_wait3A_130 = arith.constant 0 : i32
    %dma_wait3A_131 = tpu.memref_slice %arg6[%dma_wait3A_128, %dma_wait3A_129, %dma_wait3A_130] : memref<5x128x128xf32, #tpu.memory_space<vmem>> -> memref<1x128x128xf32, #tpu.memory_space<vmem>>
    %dma_wait3A_132 = tpu.memref_squeeze %dma_wait3A_131 : memref<1x128x128xf32, #tpu.memory_space<vmem>> -> memref<128x128xf32, #tpu.memory_space<vmem>>
    %dma_wait3A_133 = arith.constant 0 : i32
    %dma_wait3A_134 = tpu.memref_slice %arg4[%add3A_127, %dma_wait3A_133] : memref<204800x128xf32, #tpu.memory_space<hbm>> -> memref<128x128xf32, #tpu.memory_space<hbm>>
    %dma_wait3A_135 = arith.constant 0 : i32
    %dma_wait3A_136 = tpu.memref_slice %arg4[%add3A_127, %dma_wait3A_135] : memref<204800x128xf32, #tpu.memory_space<hbm>> -> memref<128x128xf32, #tpu.memory_space<hbm>>
    %dma_wait3A_137 = arith.constant 0 : i32
    %dma_wait3A_138 = arith.constant 0 : i32
    %dma_wait3A_139 = tpu.memref_slice %arg6[%dma_wait3A_128, %dma_wait3A_137, %dma_wait3A_138] : memref<5x128x128xf32, #tpu.memory_space<vmem>> -> memref<1x128x128xf32, #tpu.memory_space<vmem>>
    %dma_wait3A_140 = tpu.memref_squeeze %dma_wait3A_139 : memref<1x128x128xf32, #tpu.memory_space<vmem>> -> memref<128x128xf32, #tpu.memory_space<vmem>>
    tpu.wait_dma2 semaphore(%arg16 : memref<!tpu.dma_semaphore, #tpu.memory_space<semaphore_mem>>) src(%dma_wait3A_140 : memref<128x128xf32, #tpu.memory_space<vmem>>) dst(%dma_wait3A_136 : memref<128x128xf32, #tpu.memory_space<hbm>>)
    return
  }
}

</mosaic_0001>

<sc_bundles>
// kernel: kernel.3.cloned.1.call-start
scs
__scs_entry_jumppad:
0x0: {  	(pc) =	sbr.rel $0x88, $3  }
0x1: {  	(tag) =	ssettag $0x0;
	lr =	simm.s32 $0x1  }
0x2: {  	[smem:$0x3F9F] =	sst lr;
	_ =	strace $0xD0000000  }
0x3: {  	_ = 	snop  }
0x4: {  	_ = 	snop  }
0x5: {  	_ = 	snop  }
0x6: {  	_ = 	snop  }
0x7: {  	_ = 	snop  }
__scs_overlays_trampoline_lowered:
0x8: {  	[smem:$0x3FAE] =	sst s0  }
0x9: {  	[smem:$0x3FAF] =	sst s1  }
0xa: {  	[smem:$0x3FB0] =	sst s2  }
0xb: {  	[smem:$0x3FB1] =	sst s3  }
0xc: {  	[smem:$0x3FB2] =	sst s4  }
0xd: {  	[smem:$0x3FB3] =	sst s5  }
0xe: {  	[smem:$0x3FB4] =	sst s6  }
0xf: {  	[smem:$0x3FB5] =	sst s7  }
0x10: {  	[smem:$0x3FB6] =	sst s8  }
0x11: {  	[smem:$0x3FB7] =	sst s9;
	s0 =	simm.s32 @!p0 $0x0  }
0x12: {  	s1 =	sld [smem:$0x3F9D];
	s0 =	simm.s32 @p0 $0x1  }
0x13: {  	[smem:$0x3FB8] =	sst s0;
	s0 =	simm.s32 @!p1 $0x0  }
0x14: {  	s2 =	sld [smem:$0x3F9C];
	s0 =	simm.s32 @p1 $0x1  }
0x15: {  	[smem:$0x3FB9] =	sst s0;
	s0 =	simm.s32 @!p2 $0x0  }
0x16: {  	s3 =	sld [smem:$0x3FDB];
	s0 =	simm.s32 @p2 $0x1  }
0x17: {  	s4 =	simm.s32 $0x1BF5;
	[smem:$0x3FBB] =	sst s0  }
0x18: {  	s0 =	sld [smem:$0x3F9E];
	_ =	swait.ge [sflag:s4], $0x0  }
0x19: {  	s7 =	sld [smem:$0x3F9F]  }
0x1a: {  	s8 =	sadd.s32 $0xFFFFE003, lr  }
0x1b: {  	s9 =	sadd.s32 $0xFFFFFEF7, lr;
	s5 =	simm.s32 $0xFFFFFFFF;
	p2 =	slt.u32 s8, $0xFFFFF086  }
0x1c: {  	p1 =	slt.u32 s9, $0xF7A;
	s5 =	simm.s32 @!p2 $0x0  }
0x1d: {  	s5 =	simm.s32 @p1 $0x1;
	p0 =	seq.s32 s7, s2  }
0x1e: {  	s7 =	smul.u32 @!p0 $0xF7A, s2;
	p2 =	seq.s32 @!p0 s5, $0x0  }
0x1f: {  	s9 =	smul.u32 $0xF7A, s1;
	s8 =	simm.s32 @!p0 $0x1BF5;
	p2 =	por !p2, p0  }
0x20: {  	[sflag:s8] =	ssyncset.s32 @!p0 $0xFFFFF086;
	s6 =	sadd.s32 @!p0 s3, s7;
	s7 =	simm.s32 @!p0 $0x108  }
0x21: {  	s3 =	sadd.s32 s3, s9;
	s6 =	sadd.s32 @!p0 $0x88, s6;
	s7 =	simm.s32 @p2 $0x1082  }
0x22: {  	[simem:s7], [sflag:s8] =	dma.local @!p0 [hbm:s6], $0xF7A  }
0x23: {  	s9 =	sor.u32 $0xD0000000, s2;
	s6 =	simm.s32 $0x108;
	_ =	swait.ge @!p0 [sflag:s8], $0x0  }
0x24: {  	s3 =	sadd.s32 $0x88, s3;
	s6 =	simm.s32 @!p1 $0x1082;
	[sflag:s4] =	ssyncset.s32 $0xFFFFF086  }
0x25: {  	[simem:s6], [sflag:s4] =	dma.local [hbm:s3], $0xF7A  }
0x26: {  	[smem:$0x3F9F] =	sst s1;
	(tag) =	ssettag s2;
	_ =	strace s9  }
0x27: {  	s1 =	sld [smem:$0x3FAF]  }
0x28: {  	s2 =	sld [smem:$0x3FB0]  }
0x29: {  	s4 =	sld [smem:$0x3FB2]  }
0x2a: {  	p0 =	seq.s32 s5, $0x0;
	s5 =	sld [smem:$0x3FB3]  }
0x2b: {  	s6 =	sld [smem:$0x3FB4]  }
0x2c: {  	s7 =	sld [smem:$0x3FB5]  }
0x2d: {  	s3 =	simm.s32 $0x108;
	s8 =	sld [smem:$0x3FB6]  }
0x2e: {  	s3 =	simm.s32 @!p0 $0x1082;
	s9 =	sld [smem:$0x3FB7]  }
0x2f: {  	lr =	sadd.s32 s0, s3;
	s0 =	sld [smem:$0x3FAE]  }
0x30: {  	s3 =	sld [smem:$0x3FB1]  }
0x31: {  	[smem:$0x3FBA] =	sst s10  }
0x32: {  	s10 =	sld [smem:$0x3FB8];
	_ =	sdelay $0x3  }
0x33: {  	p0 =	seq.s32 s10, $0x1;
	s10 =	sld [smem:$0x3FBA];
	_ =	sdelay $0x3  }
0x34: {  	[smem:$0x3FBA] =	sst s10  }
0x35: {  	s10 =	sld [smem:$0x3FB9];
	_ =	sdelay $0x3  }
0x36: {  	p1 =	seq.s32 s10, $0x1;
	s10 =	sld [smem:$0x3FBA];
	_ =	sdelay $0x3  }
0x37: {  	[smem:$0x3FBA] =	sst s10  }
0x38: {  	s10 =	sld [smem:$0x3FBB]  }
0x39: {  	_ = 	snop;
	(pc) =	sbr.ind lr, $3  }
0x3a: {  	_ = 	snop  }
0x3b: {  	_ = 	snop  }
0x3c: {  	p2 =	seq.s32 s10, $0x1;
	s10 =	sld [smem:$0x3FBA]  }
0x3d: {  	_ =	shalt  }
0x3e: {  	_ =	shalt  }
0x3f: {  	_ =	shalt  }
0x40: {  	_ =	shalt  }
0x41: {  	_ =	shalt  }
0x42: {  	_ =	shalt  }
0x43: {  	_ =	shalt  }
0x44: {  	_ =	shalt  }
0x45: {  	_ =	shalt  }
0x46: {  	_ =	shalt  }
0x47: {  	_ =	shalt  }
0x48: {  	_ =	shalt  }
0x49: {  	_ =	shalt  }
0x4a: {  	_ =	shalt  }
0x4b: {  	_ =	shalt  }
0x4c: {  	_ =	shalt  }
0x4d: {  	_ =	shalt  }
0x4e: {  	_ =	shalt  }
0x4f: {  	_ =	shalt  }
0x50: {  	_ =	shalt  }
0x51: {  	_ =	shalt  }
0x52: {  	_ =	shalt  }
0x53: {  	_ =	shalt  }
0x54: {  	_ =	shalt  }
0x55: {  	_ =	shalt  }
0x56: {  	_ =	shalt  }
0x57: {  	_ =	shalt  }
0x58: {  	_ =	shalt  }
0x59: {  	_ =	shalt  }
0x5a: {  	_ =	shalt  }
0x5b: {  	_ =	shalt  }
0x5c: {  	_ =	shalt  }
0x5d: {  	_ =	shalt  }
0x5e: {  	_ =	shalt  }
0x5f: {  	_ =	shalt  }
0x60: {  	_ =	shalt  }
0x61: {  	_ =	shalt  }
0x62: {  	_ =	shalt  }
0x63: {  	_ =	shalt  }
0x64: {  	_ =	shalt  }
0x65: {  	_ =	shalt  }
0x66: {  	_ =	shalt  }
0x67: {  	_ =	shalt  }
0x68: {  	_ =	shalt  }
0x69: {  	_ =	shalt  }
0x6a: {  	_ =	shalt  }
0x6b: {  	_ =	shalt  }
0x6c: {  	_ =	shalt  }
0x6d: {  	_ =	shalt  }
0x6e: {  	_ =	shalt  }
0x6f: {  	_ =	shalt  }
0x70: {  	_ =	shalt  }
0x71: {  	_ =	shalt  }
0x72: {  	_ =	shalt  }
0x73: {  	_ =	shalt  }
0x74: {  	_ =	shalt  }
0x75: {  	_ =	shalt  }
0x76: {  	_ =	shalt  }
0x77: {  	_ =	shalt  }
0x78: {  	_ =	shalt  }
0x79: {  	_ =	shalt  }
0x7a: {  	_ =	shalt  }
0x7b: {  	_ =	shalt  }
0x7c: {  	_ =	shalt  }
0x7d: {  	_ =	shalt  }
0x7e: {  	_ =	shalt  }
0x7f: {  	_ =	shalt  }
0x80: {  	_ =	shalt  }
0x81: {  	_ =	shalt  }
0x82: {  	_ =	shalt  }
0x83: {  	_ =	shalt  }
0x84: {  	_ =	shalt  }
0x85: {  	_ =	shalt  }
0x86: {  	_ =	shalt  }
0x87: {  	_ =	shalt  }
.Lfunc_end0:
.L_simem_size_0:
called_computation.1_lowered:
.L_overlay_start_0:
0x88: {  	s2 =	sld [smem:$0x3FD9]  }
0x89: {  	s3 =	sld [smem:$0x3FFE];
	_ =	sdelay $0x1  }
0x8a: {  	s1 =	srdreg.scid  }
0x8b: {  	s0 =	sand.u32 $0x1, s1  }
0x8c: {  	s17 =	sshll.u32 s0, $0xA;
	s2 =	sadd.s32 s3, s2  }
0x8d: {  	s2 =	sadd.s32 s2, s17  }
0x8e: {  	[smem:$0x3FC6] =	sst s2  }
0x8f: {  	_ = 	snop  }
0x90: {  	s2 =	sld [smem:$0x3FC8]  }
0x91: {  	s18 =	sld [smem:$0x3FD0];
	(tm) =	ssettm $0x1  }
0x92: {  	s4 =	sld [smem:$0x3FFB];
	_ =	sdelay $0x3  }
0x93: {  	_ =	strace s4  }
0x94: {  	s4 =	sld [smem:$0x3FFC];
	_ =	sdelay $0x3  }
0x95: {  	_ =	strace s4  }
0x96: {  	s4 =	sld [smem:$0x3FFD];
	_ =	sdelay $0x3  }
0x97: {  	_ =	strace s4  }
0x98: {  	_ =	strace $0x8FFFFFFF  }
0x99: {  	s19 =	sld [smem:$0x3FDB];
	_ =	sdelay $0x1  }
0x9a: {  	s5 =	simm.s32 $_scs_section_size  }
0x9b: {  	s6 =	simm.s32 $_size__tile_overlayer_lowered;
	s7 =	simm.s32 $_tile_overlayer_lowered  }
0x9c: {  	s22 =	simm.s32 $0x1BFF;
	s21 =	sshll.u32 s7, $0x1;
	s4 =	sadd.s32 s5, s19  }
0x9d: {  	s8 =	simm.s32 $0x0;
	s20 =	sshll.u32 s6, $0x1;
	s6 =	sadd.s32 s21, s4  }
0x9e: {  	[timem:s8], [sflag:s22] =	dma.local [hbm:s6], s20  }
0x9f: {  	_ =	swait.ge [sflag:s22], s20  }
0xa0: {  	s5 =	ssub.s32 $0x0, s20;
	[sflag:s22] =	ssyncset.done $0x0  }
0xa1: {  	[sflag:s22] =	ssyncadd.s32 s5;
	_ =	sdelay $0x1  }
0xa2: {  	s23 =	simm.s32 $0x1B8B  }
0xa3: {  	_ =	swait.ge [sflag:s23], $0x1  }
0xa4: {  	[sflag:s23] =	ssyncset.done $0x0  }
0xa5: {  	s25 =	simm.s32 $0x1B8E;
	s24 =	sld [smem:$0x3FFE];
	[sflag:s23] =	ssyncadd.s32 $0xFFFFFFFF  }
0xa6: {  	s26 =	simm.s32 $execute0_lowered;
	[smem:$0x3FD2] =	sst s25  }
0xa7: {  	s6 =	sshll.u32 s26, $0x1;
	_ =	strace $0x80000046;
	[dreg:$0x1] =	wrdreg $0xFFFFFFFF  }
0xa8: {  	s28 =	simm.s32 $_size_execute0_lowered;
	s4 =	sadd.s32 s4, s6;
	[dreg:$0x0] =	wrdreg $0x0  }
0xa9: {  	s6 =	sshll.u32 s28, $0x1;
	[dreg:$0x2] =	wrdreg s4  }
0xaa: {  	[dreg:$0x3] =	wrdreg s6  }
0xab: {  	[dreg:$0x4] =	wrdreg $0xC0  }
0xac: {  	_ =	task [dreg:s8], $0x5FFFF  }
0xad: {  	[dreg:$0x1] =	wrdreg $0xFFFFFFFF  }
0xae: {  	[dreg:$0x0] =	wrdreg $0x60  }
0xaf: {  	[dreg:$0x2] =	wrdreg s24  }
0xb0: {  	[dreg:$0x3] =	wrdreg s2  }
0xb1: {  	[dreg:$0x4] =	wrdreg s18  }
0xb2: {  	[dreg:$0x5] =	wrdreg $0x9  }
0xb3: {  	_ =	task.clear_ibuf [dreg:s8], $0x6FFFF;
	_ =	strace $0x90000046  }
0xb4: {  	s29 =	simm.s32 $0x9;
	_ =	strace $0x80000048  }
0xb5: {  	_ =	swait.ge [sflag:s29], $0x1  }
0xb6: {  	[sflag:s29] =	ssyncadd.s32 $0xFFFFFFFF  }
0xb7: {  	_ =	strace $0x90000048  }
0xb8: {  	_ =	sfence  }
0xb9: {  	s30 =	sld [smem:$0x0];
	_ =	sdelay $0x2  }
0xba: {  	s31 =	sshll.u32 s1, $0xD;
	s1 =	sshrl.u32 s1, $0x2  }
0xbb: {  	s3 =	sand.u32 $0x4000, s31;
	s1 =	sadd.s32 s1, s30  }
0xbc: {  	s0 =	sor.u32 s3, s0;
	s1 =	sshll.u32 s1, $0x11  }
0xbd: {  	s0 =	sor.u32 s1, s0  }
0xbe: {  	s0 =	sadd.s32 $0x8F2B, s0  }
0xbf: {  	[sflag:s0] =	ssyncadd.remote.s32 $0x1  }
0xc0: {  	_ =	sfence.sel $0xFFFF  }
0xc1: {  	[dreg:$0x0] =	wrdreg $0xFFFFFFFF;
	(pc) =	sbr.abs _section_cstart, $3  }
0xc2: {  	[dreg:$0x1] =	wrdreg $0xFFFFFFFF  }
0xc3: {  	_ =	task.clear_ibuf [dreg:s8], $0x2FFFF;
	_ =	strace $0x9FFFFFFF  }
0xc4: {  	(tm) =	ssettm $0x7FFFFFFF  }
0xc5: {  	_ =	shalt  }
tec
execute0_lowered:
.L_overlay_start_1:
0x0: {  	(tag) =	ssettag $0x1  }
0x1: {  	s0 =	rddreg [dreg:$0x0]  }
0x2: {  	s2 =	rddreg [dreg:$0x1]  }
0x3: {  	s1 =	srdreg.scid;
	s4 =	stileid.u32  }
0x4: {  	s3 =	rddreg [dreg:$0x2];
	s13 =	simm.s32 $0x80;
	s14 =	simm.s32 $0x1C00  }
0x5: {  	s15 =	simm.s32 $0x5C00;
	s17 =	simm.s32 $0x9C00;
	s19 =	simm.s32 $0xDC00  }
0x6: {  	s21 =	simm.s32 $0x11C00;
	s22 =	simm.s32 $0x1;
	s23 =	simm.s32 $0x2  }
0x7: {  	s24 =	simm.s32 $0x3;
	s25 =	simm.s32 $0x4;
	s28 =	simm.s32 $0x6  }
0x8: {  	s29 =	simm.s32 $0x7;
	s1 =	sand.u32 $0x1, s1;
	s4 =	sshll.u32 s4, $0x1  }
0x9: {  	s30 =	simm.s32 $0x8;
	s31 =	simm.s32 $0x9;
	s5 =	sor.u32 s1, s4  }
0xa: {  	s4 =	simm.s32 $0x0;
	s1 =	ssub.s32 $0x2, s1;
	s6 =	smul.u32 $0x380, s5  }
0xb: {  	[smem:$0x7FF] =	sst s4;
	s7 =	sshrl.u32 s1, $0x1;
	s5 =	smul.u32 $0x1900, s5  }
.Ltmp0:
0xc: {  	_ =	strace $0x80000047;
	s1 =	ssub.s32 s1, s7;
	(pc) =	sbr.rel .LBB2_1-.Ltmp0, $4  }
0xd: {  	s0 =	sadd.s32 s6, s0;
	s7 =	sor.u32 $0x80, s5;
	s8 =	sadd.s32 $0x100, s5  }
0xe: {  	s9 =	sadd.s32 $0x180, s5;
	s10 =	sadd.s32 $0x200, s5;
	s26 =	smax.u32 s1, $0x1  }
0xf: {  	s1 =	simm.s32 $0xA;
	s0 =	sadd.s32 $0x800, s0;
	[dreg:$0x5] =	wrdreg s26  }
0x10: {  	s26 =	simm.s32 $0x5;
	[dreg:$0x4] =	wrdreg s0;
	s0 =	simm.s32 $0x0  }
.LBB2_14:
0x11: {  	_ =	swait.ge [sflag:s28], $0x4000  }
0x12: {  	[sflag:s28] =	ssyncset.done $0x0  }
0x13: {  	[sflag:s28] =	ssyncadd.s32 $0xFFFFC000  }
0x14: {  	_ =	swait.ge [sflag:s29], $0x4000  }
0x15: {  	[sflag:s29] =	ssyncset.done $0x0  }
0x16: {  	[sflag:s29] =	ssyncadd.s32 $0xFFFFC000  }
0x17: {  	_ =	swait.ge [sflag:s30], $0x4000  }
0x18: {  	[sflag:s30] =	ssyncset.done $0x0  }
0x19: {  	[sflag:s30] =	ssyncadd.s32 $0xFFFFC000  }
0x1a: {  	_ =	swait.ge [sflag:s31], $0x4000  }
0x1b: {  	[sflag:s31] =	ssyncset.done $0x0  }
0x1c: {  	[sflag:s31] =	ssyncadd.s32 $0xFFFFC000  }
0x1d: {  	_ =	swait.ge [sflag:s1], $0x4000  }
0x1e: {  	s0 =	sadd.s32 $0x1, s0;
	s6 =	rddreg [dreg:$0x5]  }
0x1f: {  	p0 =	sne.s32 s0, s6  }
.Ltmp1:
0x20: {  	_ = 	snop;
	(pc) =	sbr.rel @!p0 .LBB2_15-.Ltmp1, $3  }
0x21: {  	_ =	sdelay $0x1  }
0x22: {  	[sflag:s1] =	ssyncset.done $0x0  }
0x23: {  	[sflag:s1] =	ssyncadd.s32 $0xFFFFC000  }
.LBB2_1:
0x24: {  	s6 =	rddreg [dreg:$0x4];
	s12 =	simm.s32 $0xB  }
0x25: {  	[tilespmem:s4], [sflag:$0xB] =	stream.linear.gather [hbm4b:s6+s4], $0x1900, $0x38;
	[tilespmem:$0x15C00] =	vst v63  }
0x26: {  	_ =	swait.ge [sflag:s12], $0x1900  }
0x27: {  	[sflag:s12] =	ssyncset.done $0x0  }
0x28: {  	[sflag:s12] =	ssyncadd.s32 $0xFFFFE700  }
0x29: {  	[tilespmem:s14], [sflag:$0x1] =	stream.indirect.gather [hbm4b:s2+s13], $0x80, s4, s13, $0xb8;
	[tilespmem:$0x15C00] =	vst v63  }
0x2a: {  	_ = 	snop  }
0x2b: {  	[tilespmem:s15], [sflag:$0x2] =	stream.indirect.gather [hbm4b:s2+s13], $0x80, s13, s13, $0xb8;
	[tilespmem:$0x15C00] =	vst v63  }
0x2c: {  	s16 =	simm.s32 $0x100  }
0x2d: {  	[tilespmem:s17], [sflag:$0x3] =	stream.indirect.gather [hbm4b:s2+s13], $0x80, s16, s13, $0xb8;
	[tilespmem:$0x15C00] =	vst v63  }
0x2e: {  	s18 =	simm.s32 $0x180  }
0x2f: {  	[tilespmem:s19], [sflag:$0x4] =	stream.indirect.gather [hbm4b:s2+s13], $0x80, s18, s13, $0xb8;
	[tilespmem:$0x15C00] =	vst v63  }
0x30: {  	s20 =	simm.s32 $0x200;
	s16 =	simm.s32 $0x0  }
0x31: {  	[tilespmem:s21], [sflag:$0x5] =	stream.indirect.gather [hbm4b:s2+s13], $0x80, s20, s13, $0xb8;
	[tilespmem:$0x15C00] =	vst v63  }
.LBB2_2:
0x32: {  	_ =	swait.ge [sflag:s22], $0x4000  }
0x33: {  	[sflag:s22] =	ssyncset.done $0x0  }
0x34: {  	s20 =	simm.s32 $0x0;
	[sflag:s22] =	ssyncadd.s32 $0xFFFFC000  }
0x35: {  	v1 =	vld [tilespmem:s20+$0x1C00]  }
0x36: {  	v3 =	vld [tilespmem:s20+$0x1C10]  }
0x37: {  	v4 =	vld [tilespmem:s20+$0x1C20]  }
0x38: {  	v2 =	vld [tilespmem:s20+$0x1C30]  }
0x39: {  	v0 =	vld [tilespmem:s20+$0x1C40]  }
0x3a: {  	v5 =	vmax.f32 v1, $0.0e+00;
	v1 =	vld [tilespmem:s20+$0x1C50]  }
0x3b: {  	s6 =	simm.s32 $0x200;
	[tilespmem:s20+$0x1C00] =	vst v5;
	v5 =	vmax.f32 v3, $0.0e+00;
	v3 =	vld [tilespmem:s20+$0x1C60]  }
.LBB2_3:
0x3c: {  	s11 =	sshra.s32 s6, $0x2;
	p0 =	sne.s32 s6, $0xFE00;
	[tilespmem:s20+$0x1C10] =	vst v5;
	v4 =	vmax.f32 v4, $0.0e+00;
	v5 =	vld [tilespmem:s20+$0x1C70]  }
0x3d: {  	v6 =	vld [tilespmem:s11+$0x1C00];
	[tilespmem:s20+$0x1C20] =	vst v4;
	v2 =	vmax.f32 v2, $0.0e+00  }
0x3e: {  	v7 =	vld [tilespmem:s11+$0x1C10];
	[tilespmem:s20+$0x1C30] =	vst v2;
	v0 =	vmax.f32 v0, $0.0e+00  }
.Ltmp2:
0x3f: {  	v4 =	vld [tilespmem:s11+$0x1C20];
	[tilespmem:s20+$0x1C40] =	vst v0;
	v0 =	vmax.f32 v1, $0.0e+00;
	(pc) =	sbr.rel @p0 .LBB2_3-.Ltmp2, $4  }
0x40: {  	v2 =	vld [tilespmem:s11+$0x1C30];
	[tilespmem:s20+$0x1C50] =	vst v0;
	v1 =	vmax.f32 v3, $0.0e+00  }
0x41: {  	v0 =	vld [tilespmem:s11+$0x1C40];
	[tilespmem:s20+$0x1C60] =	vst v1;
	v3 =	vmax.f32 v5, $0.0e+00  }
0x42: {  	v5 =	vmax.f32 v6, $0.0e+00;
	v1 =	vld [tilespmem:s11+$0x1C50];
	[tilespmem:s20+$0x1C70] =	vst v3;
	s20 =	smov.u32 s11  }
0x43: {  	s6 =	sadd.s32 $0x200, s6;
	[tilespmem:s20+$0x1C00] =	vst v5;
	v5 =	vmax.f32 v7, $0.0e+00;
	v3 =	vld [tilespmem:s20+$0x1C60]  }
0x44: {  	[tilespmem:s20+$0x1C10] =	vst v5;
	v4 =	vmax.f32 v4, $0.0e+00;
	v5 =	vld [tilespmem:s20+$0x1C70]  }
0x45: {  	[tilespmem:s20+$0x1C20] =	vst v4;
	v2 =	vmax.f32 v2, $0.0e+00  }
0x46: {  	s18 =	smul.u32 $0x280, s16;
	[tilespmem:s20+$0x1C30] =	vst v2;
	v0 =	vmax.f32 v0, $0.0e+00  }
0x47: {  	[tilespmem:s20+$0x1C40] =	vst v0;
	v0 =	vmax.f32 v1, $0.0e+00  }
0x48: {  	s6 =	sadd.s32 s5, s18;
	[tilespmem:s20+$0x1C50] =	vst v0;
	v0 =	vmax.f32 v3, $0.0e+00  }
0x49: {  	s6 =	sshll.u32 s6, $0x4;
	[tilespmem:s20+$0x1C60] =	vst v0;
	v0 =	vmax.f32 v5, $0.0e+00  }
0x4a: {  	p0 =	seq.s32 s16, $0x9;
	s6 =	sadd.s32 s3, s6;
	[tilespmem:s20+$0x1C70] =	vst v0  }
0x4b: {  	[hbm4b:s6+s4] =	stream.linear.scatter [tilespmem:s14], [sflag:$0x6], $0x4000, $0x38;
	[tilespmem:$0x15C00] =	vst v63  }
0x4c: {  	s11 =	smul.u32 @!p0 $0xA00, s16;
	s6 =	simm.s32 @!p0 $0x6  }
0x4d: {  	_ =	swait.ge @!p0 [sflag:s6], $0x4000  }
0x4e: {  	s12 =	simm.s32 @!p0 $0x1C00;
	s20 =	sshra.s32 @!p0 s11, $0x2;
	[sflag:s6] =	ssyncset.done @!p0 $0x0  }
0x4f: {  	s11 =	simm.s32 @!p0 $0x80;
	[sflag:s6] =	ssyncadd.s32 @!p0 $0xFFFFC000;
	s6 =	sadd.s32 @!p0 $0x280, s20  }
0x50: {  	[tilespmem:s12], [sflag:$0x1] =	stream.indirect.gather @!p0 [hbm4b:s2+s11], $0x80, s6, s11, $0xb8;
	[tilespmem:$0x15C00] =	vst v63  }
0x51: {  	_ =	swait.ge [sflag:s23], $0x4000  }
0x52: {  	[sflag:s23] =	ssyncset.done $0x0  }
0x53: {  	s6 =	simm.s32 $0x0;
	[sflag:s23] =	ssyncadd.s32 $0xFFFFC000  }
0x54: {  	v2 =	vld [tilespmem:s6+$0x5C00]  }
0x55: {  	v4 =	vld [tilespmem:s6+$0x5C10]  }
0x56: {  	v3 =	vld [tilespmem:s6+$0x5C20]  }
0x57: {  	v1 =	vld [tilespmem:s6+$0x5C30]  }
0x58: {  	v0 =	vld [tilespmem:s6+$0x5C40]  }
0x59: {  	v5 =	vmax.f32 v2, $0.0e+00;
	v2 =	vld [tilespmem:s6+$0x5C50]  }
0x5a: {  	s11 =	simm.s32 $0x200;
	[tilespmem:s6+$0x5C00] =	vst v5;
	v5 =	vmax.f32 v4, $0.0e+00;
	v4 =	vld [tilespmem:s6+$0x5C60]  }
.LBB2_5:
0x5b: {  	s12 =	sshra.s32 s11, $0x2;
	p1 =	sne.s32 s11, $0xFE00;
	[tilespmem:s6+$0x5C10] =	vst v5;
	v3 =	vmax.f32 v3, $0.0e+00;
	v5 =	vld [tilespmem:s6+$0x5C70]  }
0x5c: {  	v6 =	vld [tilespmem:s12+$0x5C00];
	[tilespmem:s6+$0x5C20] =	vst v3;
	v1 =	vmax.f32 v1, $0.0e+00  }
0x5d: {  	v7 =	vld [tilespmem:s12+$0x5C10];
	[tilespmem:s6+$0x5C30] =	vst v1;
	v0 =	vmax.f32 v0, $0.0e+00  }
.Ltmp3:
0x5e: {  	v3 =	vld [tilespmem:s12+$0x5C20];
	[tilespmem:s6+$0x5C40] =	vst v0;
	v0 =	vmax.f32 v2, $0.0e+00;
	(pc) =	sbr.rel @p1 .LBB2_5-.Ltmp3, $4  }
0x5f: {  	v1 =	vld [tilespmem:s12+$0x5C30];
	[tilespmem:s6+$0x5C50] =	vst v0;
	v2 =	vmax.f32 v4, $0.0e+00  }
0x60: {  	v0 =	vld [tilespmem:s12+$0x5C40];
	[tilespmem:s6+$0x5C60] =	vst v2;
	v4 =	vmax.f32 v5, $0.0e+00  }
0x61: {  	v5 =	vmax.f32 v6, $0.0e+00;
	v2 =	vld [tilespmem:s12+$0x5C50];
	[tilespmem:s6+$0x5C70] =	vst v4;
	s6 =	smov.u32 s12  }
0x62: {  	s11 =	sadd.s32 $0x200, s11;
	[tilespmem:s6+$0x5C00] =	vst v5;
	v5 =	vmax.f32 v7, $0.0e+00;
	v4 =	vld [tilespmem:s6+$0x5C60]  }
0x63: {  	[tilespmem:s6+$0x5C10] =	vst v5;
	v3 =	vmax.f32 v3, $0.0e+00;
	v5 =	vld [tilespmem:s6+$0x5C70]  }
0x64: {  	[tilespmem:s6+$0x5C20] =	vst v3;
	v1 =	vmax.f32 v1, $0.0e+00  }
0x65: {  	[tilespmem:s6+$0x5C30] =	vst v1;
	v0 =	vmax.f32 v0, $0.0e+00  }
0x66: {  	[tilespmem:s6+$0x5C40] =	vst v0;
	v0 =	vmax.f32 v2, $0.0e+00  }
0x67: {  	s11 =	sadd.s32 s18, s7;
	[tilespmem:s6+$0x5C50] =	vst v0;
	v0 =	vmax.f32 v4, $0.0e+00  }
0x68: {  	s11 =	sshll.u32 s11, $0x4;
	[tilespmem:s6+$0x5C60] =	vst v0;
	v0 =	vmax.f32 v5, $0.0e+00  }
0x69: {  	s12 =	sadd.s32 s3, s11;
	[tilespmem:s6+$0x5C70] =	vst v0;
	s6 =	simm.s32 @!p0 $0x7  }
0x6a: {  	[hbm4b:s12+s4] =	stream.linear.scatter [tilespmem:s15], [sflag:$0x7], $0x4000, $0x38;
	[tilespmem:$0x15C00] =	vst v63  }
0x6b: {  	_ =	swait.ge @!p0 [sflag:s6], $0x4000  }
0x6c: {  	s11 =	simm.s32 @!p0 $0x80;
	[sflag:s6] =	ssyncset.done @!p0 $0x0  }
0x6d: {  	s12 =	simm.s32 @!p0 $0x5C00;
	[sflag:s6] =	ssyncadd.s32 @!p0 $0xFFFFC000;
	s6 =	sadd.s32 @!p0 $0x300, s20  }
0x6e: {  	[tilespmem:s12], [sflag:$0x2] =	stream.indirect.gather @!p0 [hbm4b:s2+s11], $0x80, s6, s11, $0xb8;
	[tilespmem:$0x15C00] =	vst v63  }
0x6f: {  	_ =	swait.ge [sflag:s24], $0x4000  }
0x70: {  	[sflag:s24] =	ssyncset.done $0x0  }
0x71: {  	s6 =	simm.s32 $0x0;
	[sflag:s24] =	ssyncadd.s32 $0xFFFFC000  }
0x72: {  	v2 =	vld [tilespmem:s6+$0x9C00]  }
0x73: {  	v4 =	vld [tilespmem:s6+$0x9C10]  }
0x74: {  	v3 =	vld [tilespmem:s6+$0x9C20]  }
0x75: {  	v1 =	vld [tilespmem:s6+$0x9C30]  }
0x76: {  	v0 =	vld [tilespmem:s6+$0x9C40]  }
0x77: {  	v5 =	vmax.f32 v2, $0.0e+00;
	v2 =	vld [tilespmem:s6+$0x9C50]  }
0x78: {  	s11 =	simm.s32 $0x200;
	[tilespmem:s6+$0x9C00] =	vst v5;
	v5 =	vmax.f32 v4, $0.0e+00;
	v4 =	vld [tilespmem:s6+$0x9C60]  }
.LBB2_7:
0x79: {  	s12 =	sshra.s32 s11, $0x2;
	p1 =	sne.s32 s11, $0xFE00;
	[tilespmem:s6+$0x9C10] =	vst v5;
	v3 =	vmax.f32 v3, $0.0e+00;
	v5 =	vld [tilespmem:s6+$0x9C70]  }
0x7a: {  	v6 =	vld [tilespmem:s12+$0x9C00];
	[tilespmem:s6+$0x9C20] =	vst v3;
	v1 =	vmax.f32 v1, $0.0e+00  }
0x7b: {  	v7 =	vld [tilespmem:s12+$0x9C10];
	[tilespmem:s6+$0x9C30] =	vst v1;
	v0 =	vmax.f32 v0, $0.0e+00  }
.Ltmp4:
0x7c: {  	v3 =	vld [tilespmem:s12+$0x9C20];
	[tilespmem:s6+$0x9C40] =	vst v0;
	v0 =	vmax.f32 v2, $0.0e+00;
	(pc) =	sbr.rel @p1 .LBB2_7-.Ltmp4, $4  }
0x7d: {  	v1 =	vld [tilespmem:s12+$0x9C30];
	[tilespmem:s6+$0x9C50] =	vst v0;
	v2 =	vmax.f32 v4, $0.0e+00  }
0x7e: {  	v0 =	vld [tilespmem:s12+$0x9C40];
	[tilespmem:s6+$0x9C60] =	vst v2;
	v4 =	vmax.f32 v5, $0.0e+00  }
0x7f: {  	v5 =	vmax.f32 v6, $0.0e+00;
	v2 =	vld [tilespmem:s12+$0x9C50];
	[tilespmem:s6+$0x9C70] =	vst v4;
	s6 =	smov.u32 s12  }
0x80: {  	s11 =	sadd.s32 $0x200, s11;
	[tilespmem:s6+$0x9C00] =	vst v5;
	v5 =	vmax.f32 v7, $0.0e+00;
	v4 =	vld [tilespmem:s6+$0x9C60]  }
0x81: {  	[tilespmem:s6+$0x9C10] =	vst v5;
	v3 =	vmax.f32 v3, $0.0e+00;
	v5 =	vld [tilespmem:s6+$0x9C70]  }
0x82: {  	[tilespmem:s6+$0x9C20] =	vst v3;
	v1 =	vmax.f32 v1, $0.0e+00  }
0x83: {  	[tilespmem:s6+$0x9C30] =	vst v1;
	v0 =	vmax.f32 v0, $0.0e+00  }
0x84: {  	[tilespmem:s6+$0x9C40] =	vst v0;
	v0 =	vmax.f32 v2, $0.0e+00  }
0x85: {  	s11 =	sadd.s32 s18, s8;
	[tilespmem:s6+$0x9C50] =	vst v0;
	v0 =	vmax.f32 v4, $0.0e+00  }
0x86: {  	s11 =	sshll.u32 s11, $0x4;
	[tilespmem:s6+$0x9C60] =	vst v0;
	v0 =	vmax.f32 v5, $0.0e+00  }
0x87: {  	s12 =	sadd.s32 s3, s11;
	[tilespmem:s6+$0x9C70] =	vst v0;
	s6 =	simm.s32 @!p0 $0x8  }
0x88: {  	[hbm4b:s12+s4] =	stream.linear.scatter [tilespmem:s17], [sflag:$0x8], $0x4000, $0x38;
	[tilespmem:$0x15C00] =	vst v63  }
0x89: {  	_ =	swait.ge @!p0 [sflag:s6], $0x4000  }
0x8a: {  	s11 =	simm.s32 @!p0 $0x80;
	[sflag:s6] =	ssyncset.done @!p0 $0x0  }
0x8b: {  	s12 =	simm.s32 @!p0 $0x9C00;
	[sflag:s6] =	ssyncadd.s32 @!p0 $0xFFFFC000;
	s6 =	sadd.s32 @!p0 $0x380, s20  }
0x8c: {  	[tilespmem:s12], [sflag:$0x3] =	stream.indirect.gather @!p0 [hbm4b:s2+s11], $0x80, s6, s11, $0xb8;
	[tilespmem:$0x15C00] =	vst v63  }
0x8d: {  	_ =	swait.ge [sflag:s25], $0x4000  }
0x8e: {  	[sflag:s25] =	ssyncset.done $0x0  }
0x8f: {  	s6 =	simm.s32 $0x0;
	[sflag:s25] =	ssyncadd.s32 $0xFFFFC000  }
0x90: {  	v2 =	vld [tilespmem:s6+$0xDC00]  }
0x91: {  	v4 =	vld [tilespmem:s6+$0xDC10]  }
0x92: {  	v3 =	vld [tilespmem:s6+$0xDC20]  }
0x93: {  	v1 =	vld [tilespmem:s6+$0xDC30]  }
0x94: {  	v0 =	vld [tilespmem:s6+$0xDC40]  }
0x95: {  	v5 =	vmax.f32 v2, $0.0e+00;
	v2 =	vld [tilespmem:s6+$0xDC50]  }
0x96: {  	s11 =	simm.s32 $0x200;
	[tilespmem:s6+$0xDC00] =	vst v5;
	v5 =	vmax.f32 v4, $0.0e+00;
	v4 =	vld [tilespmem:s6+$0xDC60]  }
.LBB2_9:
0x97: {  	s12 =	sshra.s32 s11, $0x2;
	p1 =	sne.s32 s11, $0xFE00;
	[tilespmem:s6+$0xDC10] =	vst v5;
	v3 =	vmax.f32 v3, $0.0e+00;
	v5 =	vld [tilespmem:s6+$0xDC70]  }
0x98: {  	v6 =	vld [tilespmem:s12+$0xDC00];
	[tilespmem:s6+$0xDC20] =	vst v3;
	v1 =	vmax.f32 v1, $0.0e+00  }
0x99: {  	v7 =	vld [tilespmem:s12+$0xDC10];
	[tilespmem:s6+$0xDC30] =	vst v1;
	v0 =	vmax.f32 v0, $0.0e+00  }
.Ltmp5:
0x9a: {  	v3 =	vld [tilespmem:s12+$0xDC20];
	[tilespmem:s6+$0xDC40] =	vst v0;
	v0 =	vmax.f32 v2, $0.0e+00;
	(pc) =	sbr.rel @p1 .LBB2_9-.Ltmp5, $4  }
0x9b: {  	v1 =	vld [tilespmem:s12+$0xDC30];
	[tilespmem:s6+$0xDC50] =	vst v0;
	v2 =	vmax.f32 v4, $0.0e+00  }
0x9c: {  	v0 =	vld [tilespmem:s12+$0xDC40];
	[tilespmem:s6+$0xDC60] =	vst v2;
	v4 =	vmax.f32 v5, $0.0e+00  }
0x9d: {  	v5 =	vmax.f32 v6, $0.0e+00;
	v2 =	vld [tilespmem:s12+$0xDC50];
	[tilespmem:s6+$0xDC70] =	vst v4;
	s6 =	smov.u32 s12  }
0x9e: {  	s11 =	sadd.s32 $0x200, s11;
	[tilespmem:s6+$0xDC00] =	vst v5;
	v5 =	vmax.f32 v7, $0.0e+00;
	v4 =	vld [tilespmem:s6+$0xDC60]  }
0x9f: {  	[tilespmem:s6+$0xDC10] =	vst v5;
	v3 =	vmax.f32 v3, $0.0e+00;
	v5 =	vld [tilespmem:s6+$0xDC70]  }
0xa0: {  	[tilespmem:s6+$0xDC20] =	vst v3;
	v1 =	vmax.f32 v1, $0.0e+00  }
0xa1: {  	[tilespmem:s6+$0xDC30] =	vst v1;
	v0 =	vmax.f32 v0, $0.0e+00  }
0xa2: {  	[tilespmem:s6+$0xDC40] =	vst v0;
	v0 =	vmax.f32 v2, $0.0e+00  }
0xa3: {  	s11 =	sadd.s32 s18, s9;
	[tilespmem:s6+$0xDC50] =	vst v0;
	v0 =	vmax.f32 v4, $0.0e+00  }
0xa4: {  	s11 =	sshll.u32 s11, $0x4;
	[tilespmem:s6+$0xDC60] =	vst v0;
	v0 =	vmax.f32 v5, $0.0e+00  }
0xa5: {  	s12 =	sadd.s32 s3, s11;
	[tilespmem:s6+$0xDC70] =	vst v0;
	s6 =	simm.s32 @!p0 $0x9  }
0xa6: {  	[hbm4b:s12+s4] =	stream.linear.scatter [tilespmem:s19], [sflag:$0x9], $0x4000, $0x38;
	[tilespmem:$0x15C00] =	vst v63  }
0xa7: {  	_ =	swait.ge @!p0 [sflag:s6], $0x4000  }
0xa8: {  	s11 =	simm.s32 @!p0 $0x80;
	[sflag:s6] =	ssyncset.done @!p0 $0x0  }
0xa9: {  	s12 =	simm.s32 @!p0 $0xDC00;
	[sflag:s6] =	ssyncadd.s32 @!p0 $0xFFFFC000;
	s6 =	sadd.s32 @!p0 $0x400, s20  }
0xaa: {  	[tilespmem:s12], [sflag:$0x4] =	stream.indirect.gather @!p0 [hbm4b:s2+s11], $0x80, s6, s11, $0xb8;
	[tilespmem:$0x15C00] =	vst v63  }
0xab: {  	_ =	swait.ge [sflag:s26], $0x4000  }
0xac: {  	[sflag:s26] =	ssyncset.done $0x0  }
0xad: {  	s6 =	simm.s32 $0x0;
	[sflag:s26] =	ssyncadd.s32 $0xFFFFC000  }
0xae: {  	v2 =	vld [tilespmem:s6+$0x11C00]  }
0xaf: {  	v4 =	vld [tilespmem:s6+$0x11C10]  }
0xb0: {  	v3 =	vld [tilespmem:s6+$0x11C20]  }
0xb1: {  	v1 =	vld [tilespmem:s6+$0x11C30]  }
0xb2: {  	v0 =	vld [tilespmem:s6+$0x11C40]  }
0xb3: {  	v5 =	vmax.f32 v2, $0.0e+00;
	v2 =	vld [tilespmem:s6+$0x11C50]  }
0xb4: {  	s11 =	simm.s32 $0x200;
	[tilespmem:s6+$0x11C00] =	vst v5;
	v5 =	vmax.f32 v4, $0.0e+00;
	v4 =	vld [tilespmem:s6+$0x11C60]  }
.LBB2_11:
0xb5: {  	s12 =	sshra.s32 s11, $0x2;
	p1 =	sne.s32 s11, $0xFE00;
	[tilespmem:s6+$0x11C10] =	vst v5;
	v3 =	vmax.f32 v3, $0.0e+00;
	v5 =	vld [tilespmem:s6+$0x11C70]  }
0xb6: {  	v6 =	vld [tilespmem:s12+$0x11C00];
	[tilespmem:s6+$0x11C20] =	vst v3;
	v1 =	vmax.f32 v1, $0.0e+00  }
0xb7: {  	v7 =	vld [tilespmem:s12+$0x11C10];
	[tilespmem:s6+$0x11C30] =	vst v1;
	v0 =	vmax.f32 v0, $0.0e+00  }
.Ltmp6:
0xb8: {  	v3 =	vld [tilespmem:s12+$0x11C20];
	[tilespmem:s6+$0x11C40] =	vst v0;
	v0 =	vmax.f32 v2, $0.0e+00;
	(pc) =	sbr.rel @p1 .LBB2_11-.Ltmp6, $4  }
0xb9: {  	v1 =	vld [tilespmem:s12+$0x11C30];
	[tilespmem:s6+$0x11C50] =	vst v0;
	v2 =	vmax.f32 v4, $0.0e+00  }
0xba: {  	v0 =	vld [tilespmem:s12+$0x11C40];
	[tilespmem:s6+$0x11C60] =	vst v2;
	v4 =	vmax.f32 v5, $0.0e+00  }
0xbb: {  	v5 =	vmax.f32 v6, $0.0e+00;
	v2 =	vld [tilespmem:s12+$0x11C50];
	[tilespmem:s6+$0x11C70] =	vst v4;
	s6 =	smov.u32 s12  }
0xbc: {  	s11 =	sadd.s32 $0x200, s11;
	[tilespmem:s6+$0x11C00] =	vst v5;
	v5 =	vmax.f32 v7, $0.0e+00;
	v4 =	vld [tilespmem:s6+$0x11C60]  }
0xbd: {  	[tilespmem:s6+$0x11C10] =	vst v5;
	v3 =	vmax.f32 v3, $0.0e+00;
	v60 =	vld [tilespmem:s6+$0x11C70]  }
0xbe: {  	[tilespmem:s6+$0x11C20] =	vst v3;
	v1 =	vmax.f32 v1, $0.0e+00  }
0xbf: {  	[tilespmem:s6+$0x11C30] =	vst v1;
	v0 =	vmax.f32 v0, $0.0e+00  }
.Ltmp7:
0xc0: {  	[tilespmem:s6+$0x11C40] =	vst v0;
	v61 =	vmax.f32 v2, $0.0e+00;
	(pc) =	sbr.rel @p0 .LBB2_14-.Ltmp7, $4  }
0xc1: {  	s11 =	sadd.s32 s18, s10;
	[tilespmem:s6+$0x11C50] =	vst v61;
	v62 =	vmax.f32 v4, $0.0e+00  }
0xc2: {  	s11 =	sshll.u32 s11, $0x4;
	[tilespmem:s6+$0x11C60] =	vst v62;
	v63 =	vmax.f32 v60, $0.0e+00  }
0xc3: {  	s20 =	sadd.s32 s3, s11;
	[tilespmem:s6+$0x11C70] =	vst v63  }
0xc4: {  	[hbm4b:s20+s4] =	stream.linear.scatter [tilespmem:s21], [sflag:$0xA], $0x4000, $0x38;
	[tilespmem:$0x15C00] =	vst v63  }
0xc5: {  	s6 =	smul.u32 $0xA00, s16  }
.Ltmp8:
0xc6: {  	_ = 	snop;
	(pc) =	sbr.rel .LBB2_2-.Ltmp8, $4  }
0xc7: {  	_ =	swait.ge [sflag:s1], $0x4000  }
0xc8: {  	[sflag:s1] =	ssyncset.done $0x0;
	s6 =	sshra.s32 s6, $0x2  }
0xc9: {  	s16 =	sadd.s32 $0x1, s16;
	[sflag:s1] =	ssyncadd.s32 $0xFFFFC000;
	s6 =	sadd.s32 $0x480, s6  }
0xca: {  	[tilespmem:s21], [sflag:$0x5] =	stream.indirect.gather [hbm4b:s2+s13], $0x80, s6, s13, $0xb8;
	[tilespmem:$0x15C00] =	vst v63  }
.LBB2_15:
0xcb: {  	_ =	sfence.sel $0x180000  }
0xcc: {  	[bflag:$0x0] =	sbarrier.arrive $0xFFFF  }
0xcd: {  	_ =	strace $0x90000047  }
0xce: {  	s0 =	stileid.u32;
	[bflag:$0x2] =	sbarrier.arrive $0xFFFF  }
0xcf: {  	p0 =	sne.s32 s0, $0x0;
	s0 =	rddreg [dreg:$0x3]  }
0xd0: {  	s0 =	sadd.s32 @!p0 $0x100000, s0  }
0xd1: {  	[sflag:s0] =	ssyncadd.tile.s32 @!p0 $0x1;
	_ =	shalt  }
.Lfunc_end2:
_tile_overlayer_lowered:
.L_overlay_start_2:
0xd2: {  	(tag) =	ssettag $0x2  }
0xd3: {  	s0 =	rddreg [dreg:$0x0];
	s2 =	stileid.u32  }
0xd4: {  	s1 =	rddreg [dreg:$0x1];
	p0 =	sne.s32 s2, $0x0  }
0xd5: {  	s3 =	rddreg [dreg:$0x2];
	[bflag:$0x3] =	sbarrier.arrive $0xFFFF;
	s2 =	simm.s32 @!p0 $0x1C0B  }
0xd6: {  	[timem:s3], [sflag:s2] =	dma.local @!p0 [hbm:s0], s1  }
0xd7: {  	s0 =	simm.s32 @!p0 $0xB  }
0xd8: {  	_ =	swait.ge @!p0 [sflag:s0], s1  }
0xd9: {  	s1 =	ssub.s32 @!p0 $0x0, s1;
	[sflag:s0] =	ssyncset.done @!p0 $0x0  }
0xda: {  	[sflag:s0] =	ssyncadd.s32 @!p0 s1  }
0xdb: {  	[bflag:$0x3] =	sbarrier.arrive $0xFFFF  }
0xdc: {  	_ =	shalt  }

// kernel: sparse-core-data-format-call.cloned.1.call-start
scs
called_computation_lowered:
.L_overlay_start_0:
0x0: {  	s2 =	sld [smem:$0x3FD9]  }
0x1: {  	s3 =	sld [smem:$0x3FFE];
	_ =	sdelay $0x1  }
0x2: {  	s1 =	srdreg.scid  }
0x3: {  	s0 =	sand.u32 $0x1, s1  }
0x4: {  	s18 =	sshll.u32 s0, $0xA;
	s2 =	sadd.s32 s3, s2  }
0x5: {  	s2 =	sadd.s32 s2, s18  }
0x6: {  	[smem:$0x3FC6] =	sst s2  }
0x7: {  	_ = 	snop  }
0x8: {  	s2 =	sld [smem:$0x3FD0];
	(tm) =	ssettm $0x1  }
0x9: {  	s19 =	sld [smem:$0x3FFB];
	_ =	sdelay $0x3  }
0xa: {  	_ =	strace s19  }
0xb: {  	s3 =	sld [smem:$0x3FFC];
	_ =	sdelay $0x3  }
0xc: {  	_ =	strace s3  }
0xd: {  	s3 =	sld [smem:$0x3FFD];
	_ =	sdelay $0x3  }
0xe: {  	_ =	strace s3  }
0xf: {  	_ =	strace $0x8FFFFFFF  }
0x10: {  	s20 =	sld [smem:$0x3FDB];
	_ =	sdelay $0x1  }
0x11: {  	s4 =	simm.s32 $_scs_section_size  }
0x12: {  	s5 =	simm.s32 $_size__tile_overlayer_lowered;
	s6 =	simm.s32 $_tile_overlayer_lowered  }
0x13: {  	s23 =	simm.s32 $0x1BFF;
	s22 =	sshll.u32 s6, $0x1;
	s3 =	sadd.s32 s4, s20  }
0x14: {  	s7 =	simm.s32 $0x0;
	s21 =	sshll.u32 s5, $0x1;
	s5 =	sadd.s32 s22, s3  }
0x15: {  	[timem:s7], [sflag:s23] =	dma.local [hbm:s5], s21  }
0x16: {  	_ =	swait.ge [sflag:s23], s21  }
0x17: {  	s4 =	ssub.s32 $0x0, s21;
	[sflag:s23] =	ssyncset.done $0x0  }
0x18: {  	[sflag:s23] =	ssyncadd.s32 s4;
	_ =	sdelay $0x1  }
0x19: {  	s24 =	simm.s32 $0x1B8B  }
0x1a: {  	_ =	swait.ge [sflag:s24], $0x1  }
0x1b: {  	[sflag:s24] =	ssyncset.done $0x0  }
0x1c: {  	s26 =	simm.s32 $0x1B8E;
	s25 =	sld [smem:$0x3FFE];
	[sflag:s24] =	ssyncadd.s32 $0xFFFFFFFF  }
0x1d: {  	s27 =	simm.s32 $execute0_lowered;
	[smem:$0x3FD2] =	sst s26  }
0x1e: {  	s5 =	sshll.u32 s27, $0x1;
	_ =	strace $0x80000049;
	[dreg:$0x1] =	wrdreg $0xFFFFFFFF  }
0x1f: {  	s28 =	simm.s32 $_size_execute0_lowered;
	s3 =	sadd.s32 s3, s5;
	[dreg:$0x0] =	wrdreg $0x0  }
0x20: {  	s5 =	sshll.u32 s28, $0x1;
	[dreg:$0x2] =	wrdreg s3  }
0x21: {  	[dreg:$0x3] =	wrdreg s5  }
0x22: {  	[dreg:$0x4] =	wrdreg $0xC0  }
0x23: {  	_ =	task [dreg:s7], $0x5FFFF  }
0x24: {  	[dreg:$0x1] =	wrdreg $0xFFFFFFFF  }
0x25: {  	[dreg:$0x0] =	wrdreg $0x60  }
0x26: {  	[dreg:$0x2] =	wrdreg s25  }
0x27: {  	[dreg:$0x3] =	wrdreg s2  }
0x28: {  	[dreg:$0x4] =	wrdreg $0x9  }
0x29: {  	_ =	task.clear_ibuf [dreg:s7], $0x5FFFF;
	_ =	strace $0x90000049  }
0x2a: {  	s29 =	simm.s32 $0x9;
	_ =	strace $0x8000004B  }
0x2b: {  	_ =	swait.ge [sflag:s29], $0x1  }
0x2c: {  	[sflag:s29] =	ssyncadd.s32 $0xFFFFFFFF  }
0x2d: {  	_ =	strace $0x9000004B  }
0x2e: {  	_ =	sfence  }
0x2f: {  	s30 =	sld [smem:$0x0];
	_ =	sdelay $0x2  }
0x30: {  	s31 =	sshll.u32 s1, $0xD;
	s1 =	sshrl.u32 s1, $0x2  }
0x31: {  	s3 =	sand.u32 $0x4000, s31;
	s1 =	sadd.s32 s1, s30  }
0x32: {  	s0 =	sor.u32 s3, s0;
	s1 =	sshll.u32 s1, $0x11  }
0x33: {  	s0 =	sor.u32 s1, s0  }
0x34: {  	s0 =	sadd.s32 $0x8F2B, s0  }
0x35: {  	[sflag:s0] =	ssyncadd.remote.s32 $0x1  }
0x36: {  	_ =	sfence.sel $0xFFFF  }
0x37: {  	[dreg:$0x0] =	wrdreg $0xFFFFFFFF;
	(pc) =	sbr.abs _section_cstart, $3  }
0x38: {  	[dreg:$0x1] =	wrdreg $0xFFFFFFFF  }
0x39: {  	_ =	task.clear_ibuf [dreg:s7], $0x2FFFF;
	_ =	strace $0x9FFFFFFF  }
0x3a: {  	(tm) =	ssettm $0x7FFFFFFF  }
0x3b: {  	_ =	shalt  }
tec
execute0_lowered:
.L_overlay_start_1:
0x0: {  	(tag) =	ssettag $0x1  }
0x1: {  	s0 =	srdreg.scid  }
0x2: {  	s1 =	sshll.u32 s0, $0x4  }
0x3: {  	s0 =	stileid.u32;
	s1 =	sand.u32 $0x10, s1  }
0x4: {  	s1 =	sor.u32 s0, s1  }
0x5: {  	s6 =	rddreg [dreg:$0x0];
	s4 =	simm.s32 $0x1;
	s2 =	sshll.u32 s1, $0x6  }
0x6: {  	s7 =	simm.s32 $0x2;
	s13 =	simm.s32 $0x0;
	s1 =	ssub.s32 $0x1000, s2  }
0x7: {  	s8 =	simm.s32 $0x2000;
	s9 =	simm.s32 $0x80000;
	s3 =	sand.u32 $0x7C0, s1  }
0x8: {  	s14 =	simm.s32 $0x0;
	s5 =	sshrl.u32 s1, $0xB;
	p0 =	sne.s32 s3, $0x0  }
.Ltmp0:
0x9: {  	s1 =	rddreg [dreg:$0x2];
	s4 =	simm.s32 @!p0 $0x0;
	(pc) =	sbr.rel .LBB1_1-.Ltmp0, $4  }
0xa: {  	s10 =	simm.s32 $0x0;
	s3 =	rddreg [dreg:$0x1];
	s5 =	sadd.s32 s4, s5  }
0xb: {  	_ =	strace $0x8000004A;
	s4 =	simm.s32 $0x1;
	s5 =	smul.u32 $0x19, s5  }
0xc: {  	s12 =	simm.s32 $0x0;
	s6 =	sadd.s32 $0x800, s6;
	[sflag:s4] =	ssyncpa.u1 $0x0  }
0xd: {  	s11 =	smov.u32 s2;
	[sflag:s7] =	ssyncpa.u1 $0x0;
	s7 =	sadd.s32 $0x1, s5  }
.LBB1_7:
0xe: {  	s15 =	sadd.s32 $0x2, s10  }
0xf: {  	s13 =	sadd.s32 $0x800, s11;
	s17 =	smov.u32 s11;
	p1 =	sgt.s32 s15, $0x31  }
0x10: {  	s17 =	smov.u32 @p1 s13  }
0x11: {  	s15 =	simm.s32 @p1 $0x0;
	p1 =	sgt.s32 s17, $0xFFF  }
0x12: {  	s17 =	smov.u32 @p1 s2;
	p1 =	sne.s32 s12, s7  }
.Ltmp1:
0x13: {  	p0 =	slt.u32 s12, $0x2;
	(pc) =	sbr.rel @!p1 .LBB1_8-.Ltmp1, $4  }
0x14: {  	s16 =	simm.s32 @!p0 $0x2  }
0x15: {  	s14 =	smov.u32 s11;
	_ =	swait.ge @!p0 [sflag:s16], $0x4000  }
0x16: {  	s13 =	smov.u32 s10;
	[sflag:s16] =	ssyncset.done @!p0 $0x0;
	s10 =	smov.u32 s15  }
0x17: {  	s12 =	sadd.s32 $0x1, s12;
	[sflag:s16] =	ssyncadd.s32 @!p0 $0xFFFFC000;
	s11 =	smov.u32 s17  }
.LBB1_1:
0x18: {  	p0 =	sge.u32 s12, s5  }
0x19: {  	s15 =	sand.u32 @!p0 $0x1FFFFFF, s10  }
0x1a: {  	s16 =	smulhi.u32 @!p0 $0x4924925, s15;
	_ =	sdelay $0x1  }
0x1b: {  	s16 =	smul.u32 @!p0 $0x38, s16  }
0x1c: {  	s17 =	sxor.u32 @!p0 $0xFFFFFFFF, s12;
	s18 =	smul.u32 @!p0 $0x380, s11  }
0x1d: {  	s31 =	sadd.s32 $0xFFFFFFFF, s12;
	s17 =	sshll.u32 @!p0 s17, $0xE;
	s15 =	ssub.s32 @!p0 s15, s16  }
0x1e: {  	s16 =	sand.u32 @!p0 $0x4000, s17;
	s17 =	sadd.s32 @!p0 s6, s18;
	s15 =	sshll.u32 @!p0 s15, $0x4  }
0x1f: {  	s18 =	simm.s32 @!p0 $0x1C00;
	s15 =	sadd.s32 @!p0 s15, s17;
	s17 =	simm.s32 @!p0 $0x100  }
0x20: {  	[tilespmem:s16], [sflag:$0x1] =	stream.strided.gather @!p0 [hbm4b:s15+s17], $0x4000, s18, s17, $0x38;
	[tilespmem:$0x10000] =	vst v63  }
0x21: {  	p0 =	sge.u32 s31, s5  }
.Ltmp2:
0x22: {  	_ = 	snop;
	(pc) =	sbr.rel @p0 .LBB1_7-.Ltmp2, $1  }
0x23: {  	_ =	sdelay $0x3  }
0x24: {  	_ =	swait.ge [sflag:s4], $0x4000;
	s15 =	sshll.u32 s12, $0xE  }
0x25: {  	[sflag:s4] =	ssyncset.done $0x0;
	s16 =	sand.u32 $0x4000, s15  }
0x26: {  	s17 =	simm.s32 $0x0;
	[sflag:s4] =	ssyncadd.s32 $0xFFFFC000;
	s15 =	sor.u32 $0x8000, s16  }
.LBB1_3:
0x27: {  	s18 =	sshll.u32 s17, $0x8  }
0x28: {  	s18 =	sand.u32 $0x3FFFFF00, s18  }
0x29: {  	s19 =	sshll.u32 s17, $0x7;
	s18 =	sadd.s32 s18, s16  }
0x2a: {  	s19 =	sand.u32 $0x3FFFFF80, s19;
	v0 =	vmov s18  }
0x2b: {  	s19 =	sadd.s32 s19, s15  }
0x2c: {  	p0 =	por $0x1, $0x1;
	v1 =	vmov s19;
	s18 =	simm.s32 $0x0  }
.LBB1_4:
0x2d: {  	s19 =	sshll.u32 s18, $0x7  }
0x2e: {  	s19 =	sand.u32 $0x3FFFFF80, s19  }
0x2f: {  	v2 =	vld.idx.msk [tilespmem:v0+s19+$0x0 ss:$0x1], $0xffff  }
0x30: {  	v3 =	vld.idx.msk [tilespmem:v0+s19+$0x10 ss:$0x1], $0xffff  }
0x31: {  	v4 =	vld.idx.msk [tilespmem:v0+s19+$0x20 ss:$0x1], $0xffff  }
0x32: {  	s31 =	sshll.u32 s18, $0xD;
	v5 =	vld.idx.msk [tilespmem:v0+s19+$0x30 ss:$0x1], $0xffff  }
0x33: {  	s18 =	sand.u32 $0x3FFFE000, s31;
	v6 =	vld.idx.msk [tilespmem:v0+s19+$0x40 ss:$0x1], $0xffff  }
0x34: {  	v63 =	vld.idx.msk [tilespmem:v0+s19+$0x70 ss:$0x1], $0xffff;
	[tilespmem:v1+s18+$0x0 ss:$0x1] =	vst.idx.msk $0xffff, v2  }
0x35: {  	v2 =	vld.idx.msk [tilespmem:v0+s19+$0x50 ss:$0x1], $0xffff;
	[tilespmem:v1+s18+$0x10 ss:$0x1] =	vst.idx.msk $0xffff, v3  }
0x36: {  	p1 =	por p0, p0;
	v3 =	vld.idx.msk [tilespmem:v0+s19+$0x60 ss:$0x1], $0xffff;
	[tilespmem:v1+s18+$0x20 ss:$0x1] =	vst.idx.msk $0xffff, v4  }
.Ltmp3:
0x37: {  	[tilespmem:v1+s18+$0x30 ss:$0x1] =	vst.idx.msk $0xffff, v5;
	(pc) =	sbr.rel @p1 .LBB1_4-.Ltmp3, $4  }
0x38: {  	[tilespmem:v1+s18+$0x40 ss:$0x1] =	vst.idx.msk $0xffff, v6  }
0x39: {  	[tilespmem:v1+s18+$0x70 ss:$0x1] =	vst.idx.msk $0xffff, v63  }
0x3a: {  	[tilespmem:v1+s18+$0x50 ss:$0x1] =	vst.idx.msk $0xffff, v2  }
0x3b: {  	p0 =	por $0x0, $0x0;
	[tilespmem:v1+s18+$0x60 ss:$0x1] =	vst.idx.msk $0xffff, v3;
	s18 =	simm.s32 $0x1  }
0x3c: {  	s17 =	sadd.s32 $0x1, s17  }
0x3d: {  	p0 =	sne.s32 s17, $0x40  }
.Ltmp4:
0x3e: {  	_ = 	snop;
	(pc) =	sbr.rel @p0 .LBB1_3-.Ltmp4, $1  }
0x3f: {  	_ =	sdelay $0x3  }
.Ltmp5:
0x40: {  	s14 =	sshll.u32 s14, $0x4;
	(pc) =	sbr.rel .LBB1_7-.Ltmp5, $4  }
0x41: {  	s14 =	sand.u32 $0xFFF0, s14  }
0x42: {  	s13 =	sshll.u32 s13, $0x10;
	s14 =	sadd.s32 s3, s14  }
0x43: {  	s13 =	sadd.s32 s13, s14  }
0x44: {  	[hbm4b:s13+s8] =	stream.strided.scatter [tilespmem:s15], [sflag:$0x2], $0x4000, s9, s8, $0x38;
	[tilespmem:$0x10000] =	vst v63  }
.LBB1_8:
0x45: {  	_ =	sfence.sel $0x180000  }
0x46: {  	s2 =	simm.s32 $0x1;
	[bflag:$0x0] =	sbarrier.arrive $0xFFFF  }
0x47: {  	s31 =	simm.s32 $0x2;
	[sflag:s2] =	ssyncpa.u1 $0x1  }
0x48: {  	[sflag:s31] =	ssyncpa.u1 $0x1  }
0x49: {  	p0 =	sne.s32 s0, $0x0;
	_ =	strace $0x9000004A  }
0x4a: {  	s0 =	sadd.s32 @!p0 $0x100000, s1;
	[bflag:$0x2] =	sbarrier.arrive $0xFFFF  }
0x4b: {  	[sflag:s0] =	ssyncadd.tile.s32 @!p0 $0x1;
	_ =	shalt  }
.Lfunc_end1:
_tile_overlayer_lowered:
.L_overlay_start_2:
0x4c: {  	(tag) =	ssettag $0x2  }
0x4d: {  	s0 =	rddreg [dreg:$0x0];
	s2 =	stileid.u32  }
0x4e: {  	s1 =	rddreg [dreg:$0x1];
	p0 =	sne.s32 s2, $0x0  }
0x4f: {  	s3 =	rddreg [dreg:$0x2];
	[bflag:$0x3] =	sbarrier.arrive $0xFFFF;
	s2 =	simm.s32 @!p0 $0x1C01  }
0x50: {  	[timem:s3], [sflag:s2] =	dma.local @!p0 [hbm:s0], s1  }
0x51: {  	s0 =	simm.s32 @!p0 $0x1  }
0x52: {  	_ =	swait.ge @!p0 [sflag:s0], s1  }
0x53: {  	s1 =	ssub.s32 @!p0 $0x0, s1;
	[sflag:s0] =	ssyncset.done @!p0 $0x0  }
0x54: {  	[sflag:s0] =	ssyncadd.s32 @!p0 s1  }
0x55: {  	[bflag:$0x3] =	sbarrier.arrive $0xFFFF  }
0x56: {  	_ =	shalt  }

</sc_bundles>
